<compile_context>
chip_gen: v7x
topology: tpu7x:2x2x1
jax: 0.10.2.dev20260603
libtpu: 0.0.44.dev20260713+nightly
codegen_flags: <defaults>
</compile_context>

<pallas_src>
import functools

import jax
import jax.numpy as jnp
from jax import lax
from jax.experimental import pallas as pl
from jax.experimental.pallas import tpu as pltpu
from jax.experimental.pallas import tpu_sc as plsc

NC = 2
NS = 16
NW = NC * NS
LANES = 16
CHUNK = 128


def _make_spmm(n, e, f):
    epw = e // NW
    C = CHUNK
    nchunk = epw // C
    n_pad = -(-n // 128) * 128
    rpw = n_pad // NS
    mesh = plsc.VectorSubcoreMesh(core_axis_name="c", subcore_axis_name="s")

    @functools.partial(
        pl.kernel,
        out_type=jax.ShapeDtypeStruct((2 * n_pad, f), jnp.float32),
        mesh=mesh,
        compiler_params=pltpu.CompilerParams(needs_layout_passes=False),
        scratch_types=[
            pltpu.VMEM((C,), jnp.int32),
            pltpu.VMEM((C,), jnp.int32),
            pltpu.VMEM((C,), jnp.float32),
            pltpu.VMEM((C,), jnp.int32),
            pltpu.VMEM((C,), jnp.int32),
            pltpu.VMEM((C,), jnp.float32),
            pltpu.VMEM((C, f), jnp.float32),
            pltpu.VMEM((C, f), jnp.float32),
            pltpu.VMEM_SHARED((n_pad, f), jnp.float32),
            pltpu.SemaphoreType.DMA,
            pltpu.SemaphoreType.DMA,
            pltpu.SemaphoreType.DMA,
            pltpu.SemaphoreType.DMA,
            pltpu.SemaphoreType.DMA,
        ],
    )
    def spmm(table, cols_h, rows_h, vals_h, out, cv0, rv0, vv0,
             cv1, rv1, vv1, g0, g1, acc, sem, is0, is1, ss0, ss1):
        c = lax.axis_index("c")
        s = lax.axis_index("s")
        wid = s * NC + c

        z16 = jnp.zeros((LANES,), jnp.float32)

        def zrow(r, carry):
            for j in range(f // LANES):
                g0[r, pl.ds(j * LANES, LANES)] = z16
            return carry

        lax.fori_loop(0, C, zrow, 0)
        nzc = rpw // C
        rem = rpw - nzc * C
        for q in range(nzc):
            pltpu.sync_copy(g0, acc.at[pl.ds(s * rpw + q * C, C)])
        if rem:
            pltpu.sync_copy(g0.at[pl.ds(0, rem)],
                            acc.at[pl.ds(s * rpw + nzc * C, rem)])
        plsc.subcore_barrier()

        base = wid * epw
        colb = (cv0, cv1)
        rowb = (rv0, rv1)
        valb = (vv0, vv1)
        isems = (is0, is1)

        def fetch_idx(i, b):
            off = base + i * C
            pltpu.async_copy(cols_h.at[pl.ds(off, C)], colb[b], isems[b])
            pltpu.async_copy(rows_h.at[pl.ds(off, C)], rowb[b], isems[b])
            pltpu.async_copy(vals_h.at[pl.ds(off, C)], valb[b], isems[b])

        def wait_idx(b):
            for dst in (colb[b], rowb[b], valb[b]):
                pltpu.make_async_copy(cols_h.at[pl.ds(0, C)], dst,
                                      isems[b]).wait()

        gbufs = (g0, g1)
        ssems = (ss0, ss1)

        def scale_chunk(valv, g):
            nsl = f // LANES

            def grp_body(grp, carry):
                e0 = grp * 2
                e1 = e0 + 1
                vw0 = plsc.load_gather(valv,
                                       [jnp.broadcast_to(e0, (LANES,))])
                vw1 = plsc.load_gather(valv,
                                       [jnp.broadcast_to(e1, (LANES,))])
                t0 = [g[e0, pl.ds(j * LANES, LANES)] for j in range(nsl)]
                t1 = [g[e1, pl.ds(j * LANES, LANES)] for j in range(nsl)]
                for j in range(nsl):
                    g[e0, pl.ds(j * LANES, LANES)] = t0[j] * vw0
                for j in range(nsl):
                    g[e1, pl.ds(j * LANES, LANES)] = t1[j] * vw1
                return carry

            lax.fori_loop(0, C // 2, grp_body, 0)

        fetch_idx(0, 0)

        def half_body(p, b, i):
            @pl.when(p >= 1)
            def _():
                pltpu.make_async_copy(gbufs[b], acc.at[rowb[b]],
                                      ssems[b]).wait()
            wait_idx(b)
            pltpu.async_copy(table.at[colb[b]], gbufs[b], sem).wait()
            if b == 0:
                fetch_idx(i + 1, 1)
            else:
                @pl.when(i + 1 < nchunk)
                def _():
                    fetch_idx(i + 1, 0)
            scale_chunk(valb[b], gbufs[b])
            pltpu.async_copy(gbufs[b], acc.at[rowb[b]], ssems[b], add=True)

        def pair_body(p, carry):
            half_body(p, 0, 2 * p)
            half_body(p, 1, 2 * p + 1)
            return carry

        lax.fori_loop(0, nchunk // 2, pair_body, 0)
        if nchunk % 2:
            pltpu.make_async_copy(g0, acc.at[rowb[0]], ss0).wait()
            wait_idx(0)
            pltpu.async_copy(table.at[colb[0]], g0, sem).wait()
            scale_chunk(valb[0], g0)
            pltpu.sync_copy(g0, acc.at[rowb[0]], add=True)
            pltpu.make_async_copy(g1, acc.at[rowb[1]], ss1).wait()
        else:
            pltpu.make_async_copy(g0, acc.at[rowb[0]], ss0).wait()
            pltpu.make_async_copy(g1, acc.at[rowb[1]], ss1).wait()
        plsc.subcore_barrier()

        pltpu.sync_copy(acc.at[pl.ds(s * rpw, rpw)],
                        out.at[pl.ds(c * n_pad + s * rpw, rpw)])

    return spmm, n_pad


def _tc1(x, p0, p1, w0, w1, inv_n):
    n, f = x.shape
    blk = 1000

    def body(xr, p0r, p1r, w0r, w1r, z1r, y01r):
        z1 = (p0r[...] + p1r[...]) * inv_n
        z1r[...] = z1
        y01r[...] = (jnp.dot(xr[...], w0r[...],
                             preferred_element_type=jnp.float32)
                     + jnp.dot(z1, w1r[...],
                               preferred_element_type=jnp.float32))

    row_spec = pl.BlockSpec((blk, f), lambda i: (i, 0))
    w_spec = pl.BlockSpec((f, f), lambda i: (0, 0))
    return pl.pallas_call(
        body,
        grid=(n // blk,),
        in_specs=[row_spec, row_spec, row_spec, w_spec, w_spec],
        out_specs=[row_spec, row_spec],
        out_shape=[jax.ShapeDtypeStruct((n, f), jnp.float32),
                   jax.ShapeDtypeStruct((n, f), jnp.float32)],
    )(x, p0, p1, w0, w1)


def _tc2(y01, q0, q1, w2, inv_n):
    n, f = y01.shape
    blk = 1000

    def body(y01r, q0r, q1r, w2r, yr):
        z2 = (q0r[...] + q1r[...]) * inv_n
        yr[...] = y01r[...] + jnp.dot(z2, w2r[...],
                                      preferred_element_type=jnp.float32)

    row_spec = pl.BlockSpec((blk, f), lambda i: (i, 0))
    w_spec = pl.BlockSpec((f, f), lambda i: (0, 0))
    return pl.pallas_call(
        body,
        grid=(n // blk,),
        in_specs=[row_spec, row_spec, row_spec, w_spec],
        out_specs=row_spec,
        out_shape=jax.ShapeDtypeStruct((n, f), jnp.float32),
    )(y01, q0, q1, w2)


def kernel(x, edge_index, edge_weight, weights):
    n, f = x.shape
    e = edge_weight.shape[0]
    rows = edge_index[0]
    cols = edge_index[1]
    inv_n = float(1.0 / n)

    unit = NW * CHUNK * 2
    e_pad = -(-e // unit) * unit
    pad = e_pad - e
    spread = (jnp.arange(pad, dtype=cols.dtype) * 97) % n
    cols = jnp.concatenate([cols, spread])
    rows = jnp.concatenate([rows, spread])
    edge_weight = jnp.concatenate(
        [edge_weight, jnp.zeros((pad,), edge_weight.dtype)])

    spmm, n_pad = _make_spmm(n, e_pad, f)
    p = spmm(x, cols, rows, edge_weight)
    z1, y01 = _tc1(x, p[:n], p[n_pad:n_pad + n], weights[0], weights[1],
                   inv_n)
    q = spmm(z1, cols, rows, edge_weight)
    return _tc2(y01, q[:n], q[n_pad:n_pad + n], weights[2], inv_n)

# --- scband reference (transcript-rebuilt; emitter-appended) ---
"""Pipeline reference for scband-graph-filter-58780922413075 (READ-ONLY COPY).

The authoritative reference and input builder live on the scoring server;
editing this copy changes nothing except your own understanding.
"""

import jax, jax.numpy as jnp
import numpy as np

N = 10000
E = 320000
FIN = 128
FOUT = 128
K = 3


def setup_inputs(seed: int = 0) -> dict:
    key = jax.random.key(seed)
    k1, k2, k3, k4 = jax.random.split(key, 4)
    x = jax.random.normal(k1, (N, FIN), dtype=jnp.float32)
    edge_index = jax.random.randint(k2, (2, E), 0, N)
    edge_weight = jax.random.uniform(k3, (E,), dtype=jnp.float32)
    stdv = 1.0 / np.sqrt(FIN * K)
    weights = jax.random.uniform(k4, (K, FIN, FOUT), minval=-stdv, maxval=stdv, dtype=jnp.float32)
    return {"x": x, "edge_index": edge_index, "edge_weight": edge_weight, "weights": weights}


def _spmm(rows, cols, vals, z, n):
    # y[r] = sum_{e: rows[e]=r} vals[e] * z[cols[e]]  == torch.spmm(S, z)
    gathered = vals[:, None] * z[cols]
    return jax.ops.segment_sum(gathered, rows, num_segments=n)


def reference(x, edge_index, edge_weight, weights):
    n = x.shape[0]
    rows = edge_index[0]
    cols = edge_index[1]
    # normalize=True divides the sparse matrix values by N
    vals = edge_weight / n
    k_taps = weights.shape[0]
    z = x
    outs = [z @ weights[0]]
    for k in range(1, k_taps):
        z = _spmm(rows, cols, vals, z, n)
        outs.append(z @ weights[k])
    y = jnp.sum(jnp.stack(outs), axis=0)
    return y

if __name__ == "__main__":
    import jax
    _d = setup_inputs()
    print(jax.jit(kernel)(*tuple(_d.values())))

</pallas_src>

<mosaic_0001>
#map = affine_map<(d0, d1) -> (0, 0)>
#map1 = affine_map<(d0, d1) -> (0)>
module attributes {stable_mosaic.version = 14 : i64} {
  func.func @spmm(%arg0: i32, %arg1: i32, %arg2: memref<10000x128xf32, #tpu.memory_space<hbm>>, %arg3: memref<327680xi32, #tpu.memory_space<hbm>>, %arg4: memref<327680xi32, #tpu.memory_space<hbm>>, %arg5: memref<327680xf32, #tpu.memory_space<hbm>>, %arg6: memref<20224x128xf32, #tpu.memory_space<hbm>>, %arg7: memref<128xi32, #tpu.memory_space<vmem>>, %arg8: memref<128xi32, #tpu.memory_space<vmem>>, %arg9: memref<128xf32, #tpu.memory_space<vmem>>, %arg10: memref<128xi32, #tpu.memory_space<vmem>>, %arg11: memref<128xi32, #tpu.memory_space<vmem>>, %arg12: memref<128xf32, #tpu.memory_space<vmem>>, %arg13: memref<128x128xf32, #tpu.memory_space<vmem>>, %arg14: memref<128x128xf32, #tpu.memory_space<vmem>>, %arg15: memref<10112x128xf32, #tpu.memory_space<vmem_shared>>, %arg16: memref<!tpu.dma_semaphore, #tpu.memory_space<semaphore_mem>>, %arg17: memref<!tpu.dma_semaphore, #tpu.memory_space<semaphore_mem>>, %arg18: memref<!tpu.dma_semaphore, #tpu.memory_space<semaphore_mem>>, %arg19: memref<!tpu.dma_semaphore, #tpu.memory_space<semaphore_mem>>, %arg20: memref<!tpu.dma_semaphore, #tpu.memory_space<semaphore_mem>>) attributes {dimension_semantics = [#tpu.dimension_semantics<core_parallel>, #tpu.dimension_semantics<subcore_parallel>], iteration_bounds = array<i64: 2, 16>, scalar_prefetch = 0 : i64, scratch_operands = 14 : i64, tpu.core_type = #tpu.core_type<sc_vector_subcore>, window_params = [{transform_indices = #map}, {transform_indices = #map1}, {transform_indices = #map1}, {transform_indices = #map1}, {transform_indices = #map}]} {
    %mul3A = arith.constant 2 : i32
    %mul3A_0 = arith.muli %arg1, %mul3A : i32
    %add3A = arith.addi %mul3A_0, %arg0 : i32
    %broadcast_in_dim3A = arith.constant 0.000000e+00 : f32
    %broadcast_in_dim3A_1 = vector.broadcast %broadcast_in_dim3A : f32 to vector<16xf32>
    %scan3A = arith.constant 0 : i32
    %scan3A_2 = arith.constant 0 : i32
    %scan3A_3 = arith.constant 128 : i32
    %scan3A_4 = arith.addi %scan3A_2, %scan3A_3 : i32
    %scan3A_5 = arith.constant 1 : i32
    scf.for %scan3A_55 = %scan3A_2 to %scan3A_4 step %scan3A_5  : i32 {
      %swap3A = arith.index_cast %scan3A_55 : i32 to index
      %swap3A_56 = arith.constant 0 : index
      %swap3A_57 = tpu.vector_load %arg13[%swap3A, %swap3A_56] {strides = array<i32>} : memref<128x128xf32, #tpu.memory_space<vmem>>, vector<16xf32>,
      tpu.vector_store %arg13[%swap3A, %swap3A_56], %broadcast_in_dim3A_1 {strides = array<i32>} : memref<128x128xf32, #tpu.memory_space<vmem>>, vector<16xf32>,
      %swap3A_58 = arith.index_cast %scan3A_55 : i32 to index
      %swap3A_59 = arith.constant 16 : index
      %swap3A_60 = tpu.vector_load %arg13[%swap3A_58, %swap3A_59] {strides = array<i32>} : memref<128x128xf32, #tpu.memory_space<vmem>>, vector<16xf32>,
      tpu.vector_store %arg13[%swap3A_58, %swap3A_59], %broadcast_in_dim3A_1 {strides = array<i32>} : memref<128x128xf32, #tpu.memory_space<vmem>>, vector<16xf32>,
      %swap3A_61 = arith.index_cast %scan3A_55 : i32 to index
      %swap3A_62 = arith.constant 32 : index
      %swap3A_63 = tpu.vector_load %arg13[%swap3A_61, %swap3A_62] {strides = array<i32>} : memref<128x128xf32, #tpu.memory_space<vmem>>, vector<16xf32>,
      tpu.vector_store %arg13[%swap3A_61, %swap3A_62], %broadcast_in_dim3A_1 {strides = array<i32>} : memref<128x128xf32, #tpu.memory_space<vmem>>, vector<16xf32>,
      %swap3A_64 = arith.index_cast %scan3A_55 : i32 to index
      %swap3A_65 = arith.constant 48 : index
      %swap3A_66 = tpu.vector_load %arg13[%swap3A_64, %swap3A_65] {strides = array<i32>} : memref<128x128xf32, #tpu.memory_space<vmem>>, vector<16xf32>,
      tpu.vector_store %arg13[%swap3A_64, %swap3A_65], %broadcast_in_dim3A_1 {strides = array<i32>} : memref<128x128xf32, #tpu.memory_space<vmem>>, vector<16xf32>,
      %swap3A_67 = arith.index_cast %scan3A_55 : i32 to index
      %swap3A_68 = arith.constant 64 : index
      %swap3A_69 = tpu.vector_load %arg13[%swap3A_67, %swap3A_68] {strides = array<i32>} : memref<128x128xf32, #tpu.memory_space<vmem>>, vector<16xf32>,
      tpu.vector_store %arg13[%swap3A_67, %swap3A_68], %broadcast_in_dim3A_1 {strides = array<i32>} : memref<128x128xf32, #tpu.memory_space<vmem>>, vector<16xf32>,
      %swap3A_70 = arith.index_cast %scan3A_55 : i32 to index
      %swap3A_71 = arith.constant 80 : index
      %swap3A_72 = tpu.vector_load %arg13[%swap3A_70, %swap3A_71] {strides = array<i32>} : memref<128x128xf32, #tpu.memory_space<vmem>>, vector<16xf32>,
      tpu.vector_store %arg13[%swap3A_70, %swap3A_71], %broadcast_in_dim3A_1 {strides = array<i32>} : memref<128x128xf32, #tpu.memory_space<vmem>>, vector<16xf32>,
      %swap3A_73 = arith.index_cast %scan3A_55 : i32 to index
      %swap3A_74 = arith.constant 96 : index
      %swap3A_75 = tpu.vector_load %arg13[%swap3A_73, %swap3A_74] {strides = array<i32>} : memref<128x128xf32, #tpu.memory_space<vmem>>, vector<16xf32>,
      tpu.vector_store %arg13[%swap3A_73, %swap3A_74], %broadcast_in_dim3A_1 {strides = array<i32>} : memref<128x128xf32, #tpu.memory_space<vmem>>, vector<16xf32>,
      %swap3A_76 = arith.index_cast %scan3A_55 : i32 to index
      %swap3A_77 = arith.constant 112 : index
      %swap3A_78 = tpu.vector_load %arg13[%swap3A_76, %swap3A_77] {strides = array<i32>} : memref<128x128xf32, #tpu.memory_space<vmem>>, vector<16xf32>,
      tpu.vector_store %arg13[%swap3A_76, %swap3A_77], %broadcast_in_dim3A_1 {strides = array<i32>} : memref<128x128xf32, #tpu.memory_space<vmem>>, vector<16xf32>,
    }
    %scan3A_6 = arith.constant 128 : i32
    %mul3A_7 = arith.constant 632 : i32
    %mul3A_8 = arith.muli %arg1, %mul3A_7 : i32
    %add3A_9 = arith.constant 0 : i32
    %add3A_10 = arith.addi %mul3A_8, %add3A_9 : i32
    "tpu.region"() ({
      %run_scoped3A = tpu.sem_alloc : memref<!tpu.dma_semaphore, #tpu.memory_space<semaphore_mem>>
      %dma_start3A_55 = arith.constant 0 : i32
      %dma_start3A_56 = tpu.memref_slice %arg15[%add3A_10, %dma_start3A_55] : memref<10112x128xf32, #tpu.memory_space<vmem_shared>> -> memref<128x128xf32, #tpu.memory_space<vmem_shared>>
      %dma_start3A_57 = arith.constant 0 : i32
      %dma_start3A_58 = tpu.memref_slice %arg15[%add3A_10, %dma_start3A_57] : memref<10112x128xf32, #tpu.memory_space<vmem_shared>> -> memref<128x128xf32, #tpu.memory_space<vmem_shared>>
      tpu.enqueue_dma source(%arg13 : memref<128x128xf32, #tpu.memory_space<vmem>>) target(%dma_start3A_58 : memref<128x128xf32, #tpu.memory_space<vmem_shared>>) target_semaphore(%run_scoped3A : memref<!tpu.dma_semaphore, #tpu.memory_space<semaphore_mem>>)
      %dma_wait3A_59 = arith.constant 0 : i32
      %dma_wait3A_60 = tpu.memref_slice %arg15[%add3A_10, %dma_wait3A_59] : memref<10112x128xf32, #tpu.memory_space<vmem_shared>> -> memref<128x128xf32, #tpu.memory_space<vmem_shared>>
      %dma_wait3A_61 = arith.constant 0 : i32
      %dma_wait3A_62 = tpu.memref_slice %arg15[%add3A_10, %dma_wait3A_61] : memref<10112x128xf32, #tpu.memory_space<vmem_shared>> -> memref<128x128xf32, #tpu.memory_space<vmem_shared>>
      tpu.wait_dma2 semaphore(%run_scoped3A : memref<!tpu.dma_semaphore, #tpu.memory_space<semaphore_mem>>) src(%arg13 : memref<128x128xf32, #tpu.memory_space<vmem>>) dst(%dma_wait3A_62 : memref<128x128xf32, #tpu.memory_space<vmem_shared>>)
      tpu.yield
    }) : () -> ()
    %mul3A_11 = arith.constant 632 : i32
    %mul3A_12 = arith.muli %arg1, %mul3A_11 : i32
    %add3A_13 = arith.constant 128 : i32
    %add3A_14 = arith.addi %mul3A_12, %add3A_13 : i32
    "tpu.region"() ({
      %run_scoped3A = tpu.sem_alloc : memref<!tpu.dma_semaphore, #tpu.memory_space<semaphore_mem>>
      %dma_start3A_55 = arith.constant 0 : i32
      %dma_start3A_56 = tpu.memref_slice %arg15[%add3A_14, %dma_start3A_55] : memref<10112x128xf32, #tpu.memory_space<vmem_shared>> -> memref<128x128xf32, #tpu.memory_space<vmem_shared>>
      %dma_start3A_57 = arith.constant 0 : i32
      %dma_start3A_58 = tpu.memref_slice %arg15[%add3A_14, %dma_start3A_57] : memref<10112x128xf32, #tpu.memory_space<vmem_shared>> -> memref<128x128xf32, #tpu.memory_space<vmem_shared>>
      tpu.enqueue_dma source(%arg13 : memref<128x128xf32, #tpu.memory_space<vmem>>) target(%dma_start3A_58 : memref<128x128xf32, #tpu.memory_space<vmem_shared>>) target_semaphore(%run_scoped3A : memref<!tpu.dma_semaphore, #tpu.memory_space<semaphore_mem>>)
      %dma_wait3A_59 = arith.constant 0 : i32
      %dma_wait3A_60 = tpu.memref_slice %arg15[%add3A_14, %dma_wait3A_59] : memref<10112x128xf32, #tpu.memory_space<vmem_shared>> -> memref<128x128xf32, #tpu.memory_space<vmem_shared>>
      %dma_wait3A_61 = arith.constant 0 : i32
      %dma_wait3A_62 = tpu.memref_slice %arg15[%add3A_14, %dma_wait3A_61] : memref<10112x128xf32, #tpu.memory_space<vmem_shared>> -> memref<128x128xf32, #tpu.memory_space<vmem_shared>>
      tpu.wait_dma2 semaphore(%run_scoped3A : memref<!tpu.dma_semaphore, #tpu.memory_space<semaphore_mem>>) src(%arg13 : memref<128x128xf32, #tpu.memory_space<vmem>>) dst(%dma_wait3A_62 : memref<128x128xf32, #tpu.memory_space<vmem_shared>>)
      tpu.yield
    }) : () -> ()
    %mul3A_15 = arith.constant 632 : i32
    %mul3A_16 = arith.muli %arg1, %mul3A_15 : i32
    %add3A_17 = arith.constant 256 : i32
    %add3A_18 = arith.addi %mul3A_16, %add3A_17 : i32
    "tpu.region"() ({
      %run_scoped3A = tpu.sem_alloc : memref<!tpu.dma_semaphore, #tpu.memory_space<semaphore_mem>>
      %dma_start3A_55 = arith.constant 0 : i32
      %dma_start3A_56 = tpu.memref_slice %arg15[%add3A_18, %dma_start3A_55] : memref<10112x128xf32, #tpu.memory_space<vmem_shared>> -> memref<128x128xf32, #tpu.memory_space<vmem_shared>>
      %dma_start3A_57 = arith.constant 0 : i32
      %dma_start3A_58 = tpu.memref_slice %arg15[%add3A_18, %dma_start3A_57] : memref<10112x128xf32, #tpu.memory_space<vmem_shared>> -> memref<128x128xf32, #tpu.memory_space<vmem_shared>>
      tpu.enqueue_dma source(%arg13 : memref<128x128xf32, #tpu.memory_space<vmem>>) target(%dma_start3A_58 : memref<128x128xf32, #tpu.memory_space<vmem_shared>>) target_semaphore(%run_scoped3A : memref<!tpu.dma_semaphore, #tpu.memory_space<semaphore_mem>>)
      %dma_wait3A_59 = arith.constant 0 : i32
      %dma_wait3A_60 = tpu.memref_slice %arg15[%add3A_18, %dma_wait3A_59] : memref<10112x128xf32, #tpu.memory_space<vmem_shared>> -> memref<128x128xf32, #tpu.memory_space<vmem_shared>>
      %dma_wait3A_61 = arith.constant 0 : i32
      %dma_wait3A_62 = tpu.memref_slice %arg15[%add3A_18, %dma_wait3A_61] : memref<10112x128xf32, #tpu.memory_space<vmem_shared>> -> memref<128x128xf32, #tpu.memory_space<vmem_shared>>
      tpu.wait_dma2 semaphore(%run_scoped3A : memref<!tpu.dma_semaphore, #tpu.memory_space<semaphore_mem>>) src(%arg13 : memref<128x128xf32, #tpu.memory_space<vmem>>) dst(%dma_wait3A_62 : memref<128x128xf32, #tpu.memory_space<vmem_shared>>)
      tpu.yield
    }) : () -> ()
    %mul3A_19 = arith.constant 632 : i32
    %mul3A_20 = arith.muli %arg1, %mul3A_19 : i32
    %add3A_21 = arith.constant 384 : i32
    %add3A_22 = arith.addi %mul3A_20, %add3A_21 : i32
    "tpu.region"() ({
      %run_scoped3A = tpu.sem_alloc : memref<!tpu.dma_semaphore, #tpu.memory_space<semaphore_mem>>
      %dma_start3A_55 = arith.constant 0 : i32
      %dma_start3A_56 = tpu.memref_slice %arg15[%add3A_22, %dma_start3A_55] : memref<10112x128xf32, #tpu.memory_space<vmem_shared>> -> memref<128x128xf32, #tpu.memory_space<vmem_shared>>
      %dma_start3A_57 = arith.constant 0 : i32
      %dma_start3A_58 = tpu.memref_slice %arg15[%add3A_22, %dma_start3A_57] : memref<10112x128xf32, #tpu.memory_space<vmem_shared>> -> memref<128x128xf32, #tpu.memory_space<vmem_shared>>
      tpu.enqueue_dma source(%arg13 : memref<128x128xf32, #tpu.memory_space<vmem>>) target(%dma_start3A_58 : memref<128x128xf32, #tpu.memory_space<vmem_shared>>) target_semaphore(%run_scoped3A : memref<!tpu.dma_semaphore, #tpu.memory_space<semaphore_mem>>)
      %dma_wait3A_59 = arith.constant 0 : i32
      %dma_wait3A_60 = tpu.memref_slice %arg15[%add3A_22, %dma_wait3A_59] : memref<10112x128xf32, #tpu.memory_space<vmem_shared>> -> memref<128x128xf32, #tpu.memory_space<vmem_shared>>
      %dma_wait3A_61 = arith.constant 0 : i32
      %dma_wait3A_62 = tpu.memref_slice %arg15[%add3A_22, %dma_wait3A_61] : memref<10112x128xf32, #tpu.memory_space<vmem_shared>> -> memref<128x128xf32, #tpu.memory_space<vmem_shared>>
      tpu.wait_dma2 semaphore(%run_scoped3A : memref<!tpu.dma_semaphore, #tpu.memory_space<semaphore_mem>>) src(%arg13 : memref<128x128xf32, #tpu.memory_space<vmem>>) dst(%dma_wait3A_62 : memref<128x128xf32, #tpu.memory_space<vmem_shared>>)
      tpu.yield
    }) : () -> ()
    %mul3A_23 = arith.constant 632 : i32
    %mul3A_24 = arith.muli %arg1, %mul3A_23 : i32
    %add3A_25 = arith.constant 512 : i32
    %add3A_26 = arith.addi %mul3A_24, %add3A_25 : i32
    "tpu.region"() ({
      %run_scoped3A = tpu.sem_alloc : memref<!tpu.dma_semaphore, #tpu.memory_space<semaphore_mem>>
      %dma_start3A_55 = arith.constant 0 : i32
      %dma_start3A_56 = arith.constant 0 : i32
      %dma_start3A_57 = tpu.memref_slice %arg13[%dma_start3A_55, %dma_start3A_56] : memref<128x128xf32, #tpu.memory_space<vmem>> -> memref<120x128xf32, #tpu.memory_space<vmem>>
      %dma_start3A_58 = arith.constant 0 : i32
      %dma_start3A_59 = tpu.memref_slice %arg15[%add3A_26, %dma_start3A_58] : memref<10112x128xf32, #tpu.memory_space<vmem_shared>> -> memref<120x128xf32, #tpu.memory_space<vmem_shared>>
      %dma_start3A_60 = arith.constant 0 : i32
      %dma_start3A_61 = tpu.memref_slice %arg15[%add3A_26, %dma_start3A_60] : memref<10112x128xf32, #tpu.memory_space<vmem_shared>> -> memref<120x128xf32, #tpu.memory_space<vmem_shared>>
      %dma_start3A_62 = arith.constant 0 : i32
      %dma_start3A_63 = arith.constant 0 : i32
      %dma_start3A_64 = tpu.memref_slice %arg13[%dma_start3A_62, %dma_start3A_63] : memref<128x128xf32, #tpu.memory_space<vmem>> -> memref<120x128xf32, #tpu.memory_space<vmem>>
      tpu.enqueue_dma source(%dma_start3A_64 : memref<120x128xf32, #tpu.memory_space<vmem>>) target(%dma_start3A_61 : memref<120x128xf32, #tpu.memory_space<vmem_shared>>) target_semaphore(%run_scoped3A : memref<!tpu.dma_semaphore, #tpu.memory_space<semaphore_mem>>)
      %dma_wait3A_65 = arith.constant 0 : i32
      %dma_wait3A_66 = arith.constant 0 : i32
      %dma_wait3A_67 = tpu.memref_slice %arg13[%dma_wait3A_65, %dma_wait3A_66] : memref<128x128xf32, #tpu.memory_space<vmem>> -> memref<120x128xf32, #tpu.memory_space<vmem>>
      %dma_wait3A_68 = arith.constant 0 : i32
      %dma_wait3A_69 = tpu.memref_slice %arg15[%add3A_26, %dma_wait3A_68] : memref<10112x128xf32, #tpu.memory_space<vmem_shared>> -> memref<120x128xf32, #tpu.memory_space<vmem_shared>>
      %dma_wait3A_70 = arith.constant 0 : i32
      %dma_wait3A_71 = tpu.memref_slice %arg15[%add3A_26, %dma_wait3A_70] : memref<10112x128xf32, #tpu.memory_space<vmem_shared>> -> memref<120x128xf32, #tpu.memory_space<vmem_shared>>
      %dma_wait3A_72 = arith.constant 0 : i32
      %dma_wait3A_73 = arith.constant 0 : i32
      %dma_wait3A_74 = tpu.memref_slice %arg13[%dma_wait3A_72, %dma_wait3A_73] : memref<128x128xf32, #tpu.memory_space<vmem>> -> memref<120x128xf32, #tpu.memory_space<vmem>>
      tpu.wait_dma2 semaphore(%run_scoped3A : memref<!tpu.dma_semaphore, #tpu.memory_space<semaphore_mem>>) src(%dma_wait3A_74 : memref<120x128xf32, #tpu.memory_space<vmem>>) dst(%dma_wait3A_71 : memref<120x128xf32, #tpu.memory_space<vmem_shared>>)
      tpu.yield
    }) : () -> ()
    %barrier3A = arith.constant 0 : index
    tpu.barrier barrier_id(%barrier3A)
    %mul3A_27 = arith.constant 10240 : i32
    %mul3A_28 = arith.muli %add3A, %mul3A_27 : i32
    %add3A_29 = arith.constant 0 : i32
    %add3A_30 = arith.addi %mul3A_28, %add3A_29 : i32
    %dma_start3A = tpu.memref_slice %arg3[%add3A_30] : memref<327680xi32, #tpu.memory_space<hbm>> -> memref<128xi32, #tpu.memory_space<hbm>>
    %dma_start3A_31 = tpu.memref_slice %arg3[%add3A_30] : memref<327680xi32, #tpu.memory_space<hbm>> -> memref<128xi32, #tpu.memory_space<hbm>>
    tpu.enqueue_dma source(%dma_start3A_31 : memref<128xi32, #tpu.memory_space<hbm>>) target(%arg7 : memref<128xi32, #tpu.memory_space<vmem>>) target_semaphore(%arg17 : memref<!tpu.dma_semaphore, #tpu.memory_space<semaphore_mem>>)
    %dma_start3A_32 = tpu.memref_slice %arg4[%add3A_30] : memref<327680xi32, #tpu.memory_space<hbm>> -> memref<128xi32, #tpu.memory_space<hbm>>
    %dma_start3A_33 = tpu.memref_slice %arg4[%add3A_30] : memref<327680xi32, #tpu.memory_space<hbm>> -> memref<128xi32, #tpu.memory_space<hbm>>
    tpu.enqueue_dma source(%dma_start3A_33 : memref<128xi32, #tpu.memory_space<hbm>>) target(%arg8 : memref<128xi32, #tpu.memory_space<vmem>>) target_semaphore(%arg17 : memref<!tpu.dma_semaphore, #tpu.memory_space<semaphore_mem>>)
    %dma_start3A_34 = tpu.memref_slice %arg5[%add3A_30] : memref<327680xf32, #tpu.memory_space<hbm>> -> memref<128xf32, #tpu.memory_space<hbm>>
    %dma_start3A_35 = tpu.memref_slice %arg5[%add3A_30] : memref<327680xf32, #tpu.memory_space<hbm>> -> memref<128xf32, #tpu.memory_space<hbm>>
    tpu.enqueue_dma source(%dma_start3A_35 : memref<128xf32, #tpu.memory_space<hbm>>) target(%arg9 : memref<128xf32, #tpu.memory_space<vmem>>) target_semaphore(%arg17 : memref<!tpu.dma_semaphore, #tpu.memory_space<semaphore_mem>>)
    %scan3A_36 = arith.constant 0 : i32
    %scan3A_37 = arith.constant 0 : i32
    %scan3A_38 = arith.constant 40 : i32
    %scan3A_39 = arith.addi %scan3A_37, %scan3A_38 : i32
    %scan3A_40 = arith.constant 1 : i32
    scf.for %scan3A_55 = %scan3A_37 to %scan3A_39 step %scan3A_40  : i32 {
      %mul3A_56 = arith.constant 2 : i32
      %mul3A_57 = arith.muli %mul3A_56, %scan3A_55 : i32
      %ge3A = arith.constant 1 : i32
      %ge3A_58 = arith.cmpi sge, %scan3A_55, %ge3A : i32
      %convert_element_type3A = arith.extui %ge3A_58 : i1 to i32
      %cond3A = arith.constant 0 : i32
      %cond3A_59 = arith.cmpi ne, %convert_element_type3A, %cond3A : i32
      scf.if %cond3A_59 {
        %dma_wait3A_140 = arith.constant 0 : i32
        %dma_wait3A_141 = arith.constant 0 : i32
        %dma_wait3A_142 = tpu.memref_slice %arg15[%dma_wait3A_140, %dma_wait3A_141] : memref<10112x128xf32, #tpu.memory_space<vmem_shared>> -> memref<10112x128xf32, #tpu.memory_space<vmem_shared>>
        tpu.wait_indirect_dma semaphore(%arg19 : memref<!tpu.dma_semaphore, #tpu.memory_space<semaphore_mem>>) src(%arg13 : memref<128x128xf32, #tpu.memory_space<vmem>>) dst(%dma_wait3A_142 : memref<10112x128xf32, #tpu.memory_space<vmem_shared>>)
      } else {
      }
      %dma_wait3A_60 = arith.constant 0 : i32
      %dma_wait3A_61 = tpu.memref_slice %arg3[%dma_wait3A_60] : memref<327680xi32, #tpu.memory_space<hbm>> -> memref<128xi32, #tpu.memory_space<hbm>>
      %dma_wait3A_62 = arith.constant 0 : i32
      %dma_wait3A_63 = tpu.memref_slice %arg3[%dma_wait3A_62] : memref<327680xi32, #tpu.memory_space<hbm>> -> memref<128xi32, #tpu.memory_space<hbm>>
      tpu.wait_dma2 semaphore(%arg17 : memref<!tpu.dma_semaphore, #tpu.memory_space<semaphore_mem>>) src(%dma_wait3A_63 : memref<128xi32, #tpu.memory_space<hbm>>) dst(%arg7 : memref<128xi32, #tpu.memory_space<vmem>>)
      %dma_wait3A_64 = arith.constant 0 : i32
      %dma_wait3A_65 = tpu.memref_slice %arg3[%dma_wait3A_64] : memref<327680xi32, #tpu.memory_space<hbm>> -> memref<128xi32, #tpu.memory_space<hbm>>
      %dma_wait3A_66 = arith.constant 0 : i32
      %dma_wait3A_67 = tpu.memref_slice %arg3[%dma_wait3A_66] : memref<327680xi32, #tpu.memory_space<hbm>> -> memref<128xi32, #tpu.memory_space<hbm>>
      tpu.wait_dma2 semaphore(%arg17 : memref<!tpu.dma_semaphore, #tpu.memory_space<semaphore_mem>>) src(%dma_wait3A_67 : memref<128xi32, #tpu.memory_space<hbm>>) dst(%arg8 : memref<128xi32, #tpu.memory_space<vmem>>)
      %dma_wait3A_68 = arith.constant 0 : i32
      %dma_wait3A_69 = tpu.memref_slice %arg3[%dma_wait3A_68] : memref<327680xi32, #tpu.memory_space<hbm>> -> memref<128xi32, #tpu.memory_space<hbm>>
      %dma_wait3A_70 = arith.constant 0 : i32
      %dma_wait3A_71 = tpu.memref_slice %arg3[%dma_wait3A_70] : memref<327680xi32, #tpu.memory_space<hbm>> -> memref<128xi32, #tpu.memory_space<hbm>>
      tpu.wait_dma2 semaphore(%arg17 : memref<!tpu.dma_semaphore, #tpu.memory_space<semaphore_mem>>) src(%dma_wait3A_71 : memref<128xi32, #tpu.memory_space<hbm>>) dst(%arg9 : memref<128xf32, #tpu.memory_space<vmem>>)
      %dma_start3A_72 = arith.constant 0 : i32
      %dma_start3A_73 = arith.constant 0 : i32
      %dma_start3A_74 = tpu.memref_slice %arg2[%dma_start3A_72, %dma_start3A_73] : memref<10000x128xf32, #tpu.memory_space<hbm>> -> memref<10000x128xf32, #tpu.memory_space<hbm>>
      tpu.enqueue_indirect_dma source(%dma_start3A_74 : memref<10000x128xf32, #tpu.memory_space<hbm>>) target(%arg13 : memref<128x128xf32, #tpu.memory_space<vmem>>) offsets(%arg7 : memref<128xi32, #tpu.memory_space<vmem>>) semaphore(%arg16 : memref<!tpu.dma_semaphore, #tpu.memory_space<semaphore_mem>>)
      %dma_wait3A_75 = arith.constant 0 : i32
      %dma_wait3A_76 = arith.constant 0 : i32
      %dma_wait3A_77 = tpu.memref_slice %arg2[%dma_wait3A_75, %dma_wait3A_76] : memref<10000x128xf32, #tpu.memory_space<hbm>> -> memref<10000x128xf32, #tpu.memory_space<hbm>>
      tpu.wait_indirect_dma semaphore(%arg16 : memref<!tpu.dma_semaphore, #tpu.memory_space<semaphore_mem>>) src(%dma_wait3A_77 : memref<10000x128xf32, #tpu.memory_space<hbm>>) dst(%arg13 : memref<128x128xf32, #tpu.memory_space<vmem>>)
      %add3A_78 = arith.constant 1 : i32
      %add3A_79 = arith.addi %mul3A_57, %add3A_78 : i32
      %mul3A_80 = arith.constant 128 : i32
      %mul3A_81 = arith.muli %add3A_79, %mul3A_80 : i32
      %add3A_82 = arith.addi %mul3A_28, %mul3A_81 : i32
      %dma_start3A_83 = tpu.memref_slice %arg3[%add3A_82] : memref<327680xi32, #tpu.memory_space<hbm>> -> memref<128xi32, #tpu.memory_space<hbm>>
      %dma_start3A_84 = tpu.memref_slice %arg3[%add3A_82] : memref<327680xi32, #tpu.memory_space<hbm>> -> memref<128xi32, #tpu.memory_space<hbm>>
      tpu.enqueue_dma source(%dma_start3A_84 : memref<128xi32, #tpu.memory_space<hbm>>) target(%arg10 : memref<128xi32, #tpu.memory_space<vmem>>) target_semaphore(%arg18 : memref<!tpu.dma_semaphore, #tpu.memory_space<semaphore_mem>>)
      %dma_start3A_85 = tpu.memref_slice %arg4[%add3A_82] : memref<327680xi32, #tpu.memory_space<hbm>> -> memref<128xi32, #tpu.memory_space<hbm>>
      %dma_start3A_86 = tpu.memref_slice %arg4[%add3A_82] : memref<327680xi32, #tpu.memory_space<hbm>> -> memref<128xi32, #tpu.memory_space<hbm>>
      tpu.enqueue_dma source(%dma_start3A_86 : memref<128xi32, #tpu.memory_space<hbm>>) target(%arg11 : memref<128xi32, #tpu.memory_space<vmem>>) target_semaphore(%arg18 : memref<!tpu.dma_semaphore, #tpu.memory_space<semaphore_mem>>)
      %dma_start3A_87 = tpu.memref_slice %arg5[%add3A_82] : memref<327680xf32, #tpu.memory_space<hbm>> -> memref<128xf32, #tpu.memory_space<hbm>>
      %dma_start3A_88 = tpu.memref_slice %arg5[%add3A_82] : memref<327680xf32, #tpu.memory_space<hbm>> -> memref<128xf32, #tpu.memory_space<hbm>>
      tpu.enqueue_dma source(%dma_start3A_88 : memref<128xf32, #tpu.memory_space<hbm>>) target(%arg12 : memref<128xf32, #tpu.memory_space<vmem>>) target_semaphore(%arg18 : memref<!tpu.dma_semaphore, #tpu.memory_space<semaphore_mem>>)
      %scan3A_89 = arith.constant 0 : i32
      %scan3A_90 = arith.constant 0 : i32
      %scan3A_91 = arith.constant 64 : i32
      %scan3A_92 = arith.addi %scan3A_90, %scan3A_91 : i32
      %scan3A_93 = arith.constant 1 : i32
      scf.for %scan3A_140 = %scan3A_90 to %scan3A_92 step %scan3A_93  : i32 {
        %mul3A_141 = arith.constant 2 : i32
        %mul3A_142 = arith.muli %scan3A_140, %mul3A_141 : i32
        %add3A_143 = arith.constant 1 : i32
        %add3A_144 = arith.addi %mul3A_142, %add3A_143 : i32
        %broadcast_in_dim3A_145 = vector.broadcast %mul3A_142 : i32 to vector<16xi32>
        %gather3A = tpu.vector_load_idx %arg9[%broadcast_in_dim3A_145] : memref<128xf32, #tpu.memory_space<vmem>>[vector<16xi32>], vector<16xf32>,
        %broadcast_in_dim3A_146 = vector.broadcast %add3A_144 : i32 to vector<16xi32>
        %gather3A_147 = tpu.vector_load_idx %arg9[%broadcast_in_dim3A_146] : memref<128xf32, #tpu.memory_space<vmem>>[vector<16xi32>], vector<16xf32>,
        %get3A = arith.index_cast %mul3A_142 : i32 to index
        %get3A_148 = arith.constant 0 : index
        %get3A_149 = tpu.vector_load %arg13[%get3A, %get3A_148] {strides = array<i32>} : memref<128x128xf32, #tpu.memory_space<vmem>>, vector<16xf32>,
        %get3A_150 = arith.index_cast %mul3A_142 : i32 to index
        %get3A_151 = arith.constant 16 : index
        %get3A_152 = tpu.vector_load %arg13[%get3A_150, %get3A_151] {strides = array<i32>} : memref<128x128xf32, #tpu.memory_space<vmem>>, vector<16xf32>,
        %get3A_153 = arith.index_cast %mul3A_142 : i32 to index
        %get3A_154 = arith.constant 32 : index
        %get3A_155 = tpu.vector_load %arg13[%get3A_153, %get3A_154] {strides = array<i32>} : memref<128x128xf32, #tpu.memory_space<vmem>>, vector<16xf32>,
        %get3A_156 = arith.index_cast %mul3A_142 : i32 to index
        %get3A_157 = arith.constant 48 : index
        %get3A_158 = tpu.vector_load %arg13[%get3A_156, %get3A_157] {strides = array<i32>} : memref<128x128xf32, #tpu.memory_space<vmem>>, vector<16xf32>,
        %get3A_159 = arith.index_cast %mul3A_142 : i32 to index
        %get3A_160 = arith.constant 64 : index
        %get3A_161 = tpu.vector_load %arg13[%get3A_159, %get3A_160] {strides = array<i32>} : memref<128x128xf32, #tpu.memory_space<vmem>>, vector<16xf32>,
        %get3A_162 = arith.index_cast %mul3A_142 : i32 to index
        %get3A_163 = arith.constant 80 : index
        %get3A_164 = tpu.vector_load %arg13[%get3A_162, %get3A_163] {strides = array<i32>} : memref<128x128xf32, #tpu.memory_space<vmem>>, vector<16xf32>,
        %get3A_165 = arith.index_cast %mul3A_142 : i32 to index
        %get3A_166 = arith.constant 96 : index
        %get3A_167 = tpu.vector_load %arg13[%get3A_165, %get3A_166] {strides = array<i32>} : memref<128x128xf32, #tpu.memory_space<vmem>>, vector<16xf32>,
        %get3A_168 = arith.index_cast %mul3A_142 : i32 to index
        %get3A_169 = arith.constant 112 : index
        %get3A_170 = tpu.vector_load %arg13[%get3A_168, %get3A_169] {strides = array<i32>} : memref<128x128xf32, #tpu.memory_space<vmem>>, vector<16xf32>,
        %get3A_171 = arith.index_cast %add3A_144 : i32 to index
        %get3A_172 = arith.constant 0 : index
        %get3A_173 = tpu.vector_load %arg13[%get3A_171, %get3A_172] {strides = array<i32>} : memref<128x128xf32, #tpu.memory_space<vmem>>, vector<16xf32>,
        %get3A_174 = arith.index_cast %add3A_144 : i32 to index
        %get3A_175 = arith.constant 16 : index
        %get3A_176 = tpu.vector_load %arg13[%get3A_174, %get3A_175] {strides = array<i32>} : memref<128x128xf32, #tpu.memory_space<vmem>>, vector<16xf32>,
        %get3A_177 = arith.index_cast %add3A_144 : i32 to index
        %get3A_178 = arith.constant 32 : index
        %get3A_179 = tpu.vector_load %arg13[%get3A_177, %get3A_178] {strides = array<i32>} : memref<128x128xf32, #tpu.memory_space<vmem>>, vector<16xf32>,
        %get3A_180 = arith.index_cast %add3A_144 : i32 to index
        %get3A_181 = arith.constant 48 : index
        %get3A_182 = tpu.vector_load %arg13[%get3A_180, %get3A_181] {strides = array<i32>} : memref<128x128xf32, #tpu.memory_space<vmem>>, vector<16xf32>,
        %get3A_183 = arith.index_cast %add3A_144 : i32 to index
        %get3A_184 = arith.constant 64 : index
        %get3A_185 = tpu.vector_load %arg13[%get3A_183, %get3A_184] {strides = array<i32>} : memref<128x128xf32, #tpu.memory_space<vmem>>, vector<16xf32>,
        %get3A_186 = arith.index_cast %add3A_144 : i32 to index
        %get3A_187 = arith.constant 80 : index
        %get3A_188 = tpu.vector_load %arg13[%get3A_186, %get3A_187] {strides = array<i32>} : memref<128x128xf32, #tpu.memory_space<vmem>>, vector<16xf32>,
        %get3A_189 = arith.index_cast %add3A_144 : i32 to index
        %get3A_190 = arith.constant 96 : index
        %get3A_191 = tpu.vector_load %arg13[%get3A_189, %get3A_190] {strides = array<i32>} : memref<128x128xf32, #tpu.memory_space<vmem>>, vector<16xf32>,
        %get3A_192 = arith.index_cast %add3A_144 : i32 to index
        %get3A_193 = arith.constant 112 : index
        %get3A_194 = tpu.vector_load %arg13[%get3A_192, %get3A_193] {strides = array<i32>} : memref<128x128xf32, #tpu.memory_space<vmem>>, vector<16xf32>,
        %mul3A_195 = arith.mulf %get3A_149, %gather3A : vector<16xf32>
        %swap3A = arith.index_cast %mul3A_142 : i32 to index
        %swap3A_196 = arith.constant 0 : index
        %swap3A_197 = tpu.vector_load %arg13[%swap3A, %swap3A_196] {strides = array<i32>} : memref<128x128xf32, #tpu.memory_space<vmem>>, vector<16xf32>,
        tpu.vector_store %arg13[%swap3A, %swap3A_196], %mul3A_195 {strides = array<i32>} : memref<128x128xf32, #tpu.memory_space<vmem>>, vector<16xf32>,
        %mul3A_198 = arith.mulf %get3A_152, %gather3A : vector<16xf32>
        %swap3A_199 = arith.index_cast %mul3A_142 : i32 to index
        %swap3A_200 = arith.constant 16 : index
        %swap3A_201 = tpu.vector_load %arg13[%swap3A_199, %swap3A_200] {strides = array<i32>} : memref<128x128xf32, #tpu.memory_space<vmem>>, vector<16xf32>,
        tpu.vector_store %arg13[%swap3A_199, %swap3A_200], %mul3A_198 {strides = array<i32>} : memref<128x128xf32, #tpu.memory_space<vmem>>, vector<16xf32>,
        %mul3A_202 = arith.mulf %get3A_155, %gather3A : vector<16xf32>
        %swap3A_203 = arith.index_cast %mul3A_142 : i32 to index
        %swap3A_204 = arith.constant 32 : index
        %swap3A_205 = tpu.vector_load %arg13[%swap3A_203, %swap3A_204] {strides = array<i32>} : memref<128x128xf32, #tpu.memory_space<vmem>>, vector<16xf32>,
        tpu.vector_store %arg13[%swap3A_203, %swap3A_204], %mul3A_202 {strides = array<i32>} : memref<128x128xf32, #tpu.memory_space<vmem>>, vector<16xf32>,
        %mul3A_206 = arith.mulf %get3A_158, %gather3A : vector<16xf32>
        %swap3A_207 = arith.index_cast %mul3A_142 : i32 to index
        %swap3A_208 = arith.constant 48 : index
        %swap3A_209 = tpu.vector_load %arg13[%swap3A_207, %swap3A_208] {strides = array<i32>} : memref<128x128xf32, #tpu.memory_space<vmem>>, vector<16xf32>,
        tpu.vector_store %arg13[%swap3A_207, %swap3A_208], %mul3A_206 {strides = array<i32>} : memref<128x128xf32, #tpu.memory_space<vmem>>, vector<16xf32>,
        %mul3A_210 = arith.mulf %get3A_161, %gather3A : vector<16xf32>
        %swap3A_211 = arith.index_cast %mul3A_142 : i32 to index
        %swap3A_212 = arith.constant 64 : index
        %swap3A_213 = tpu.vector_load %arg13[%swap3A_211, %swap3A_212] {strides = array<i32>} : memref<128x128xf32, #tpu.memory_space<vmem>>, vector<16xf32>,
        tpu.vector_store %arg13[%swap3A_211, %swap3A_212], %mul3A_210 {strides = array<i32>} : memref<128x128xf32, #tpu.memory_space<vmem>>, vector<16xf32>,
        %mul3A_214 = arith.mulf %get3A_164, %gather3A : vector<16xf32>
        %swap3A_215 = arith.index_cast %mul3A_142 : i32 to index
        %swap3A_216 = arith.constant 80 : index
        %swap3A_217 = tpu.vector_load %arg13[%swap3A_215, %swap3A_216] {strides = array<i32>} : memref<128x128xf32, #tpu.memory_space<vmem>>, vector<16xf32>,
        tpu.vector_store %arg13[%swap3A_215, %swap3A_216], %mul3A_214 {strides = array<i32>} : memref<128x128xf32, #tpu.memory_space<vmem>>, vector<16xf32>,
        %mul3A_218 = arith.mulf %get3A_167, %gather3A : vector<16xf32>
        %swap3A_219 = arith.index_cast %mul3A_142 : i32 to index
        %swap3A_220 = arith.constant 96 : index
        %swap3A_221 = tpu.vector_load %arg13[%swap3A_219, %swap3A_220] {strides = array<i32>} : memref<128x128xf32, #tpu.memory_space<vmem>>, vector<16xf32>,
        tpu.vector_store %arg13[%swap3A_219, %swap3A_220], %mul3A_218 {strides = array<i32>} : memref<128x128xf32, #tpu.memory_space<vmem>>, vector<16xf32>,
        %mul3A_222 = arith.mulf %get3A_170, %gather3A : vector<16xf32>
        %swap3A_223 = arith.index_cast %mul3A_142 : i32 to index
        %swap3A_224 = arith.constant 112 : index
        %swap3A_225 = tpu.vector_load %arg13[%swap3A_223, %swap3A_224] {strides = array<i32>} : memref<128x128xf32, #tpu.memory_space<vmem>>, vector<16xf32>,
        tpu.vector_store %arg13[%swap3A_223, %swap3A_224], %mul3A_222 {strides = array<i32>} : memref<128x128xf32, #tpu.memory_space<vmem>>, vector<16xf32>,
        %mul3A_226 = arith.mulf %get3A_173, %gather3A_147 : vector<16xf32>
        %swap3A_227 = arith.index_cast %add3A_144 : i32 to index
        %swap3A_228 = arith.constant 0 : index
        %swap3A_229 = tpu.vector_load %arg13[%swap3A_227, %swap3A_228] {strides = array<i32>} : memref<128x128xf32, #tpu.memory_space<vmem>>, vector<16xf32>,
        tpu.vector_store %arg13[%swap3A_227, %swap3A_228], %mul3A_226 {strides = array<i32>} : memref<128x128xf32, #tpu.memory_space<vmem>>, vector<16xf32>,
        %mul3A_230 = arith.mulf %get3A_176, %gather3A_147 : vector<16xf32>
        %swap3A_231 = arith.index_cast %add3A_144 : i32 to index
        %swap3A_232 = arith.constant 16 : index
        %swap3A_233 = tpu.vector_load %arg13[%swap3A_231, %swap3A_232] {strides = array<i32>} : memref<128x128xf32, #tpu.memory_space<vmem>>, vector<16xf32>,
        tpu.vector_store %arg13[%swap3A_231, %swap3A_232], %mul3A_230 {strides = array<i32>} : memref<128x128xf32, #tpu.memory_space<vmem>>, vector<16xf32>,
        %mul3A_234 = arith.mulf %get3A_179, %gather3A_147 : vector<16xf32>
        %swap3A_235 = arith.index_cast %add3A_144 : i32 to index
        %swap3A_236 = arith.constant 32 : index
        %swap3A_237 = tpu.vector_load %arg13[%swap3A_235, %swap3A_236] {strides = array<i32>} : memref<128x128xf32, #tpu.memory_space<vmem>>, vector<16xf32>,
        tpu.vector_store %arg13[%swap3A_235, %swap3A_236], %mul3A_234 {strides = array<i32>} : memref<128x128xf32, #tpu.memory_space<vmem>>, vector<16xf32>,
        %mul3A_238 = arith.mulf %get3A_182, %gather3A_147 : vector<16xf32>
        %swap3A_239 = arith.index_cast %add3A_144 : i32 to index
        %swap3A_240 = arith.constant 48 : index
        %swap3A_241 = tpu.vector_load %arg13[%swap3A_239, %swap3A_240] {strides = array<i32>} : memref<128x128xf32, #tpu.memory_space<vmem>>, vector<16xf32>,
        tpu.vector_store %arg13[%swap3A_239, %swap3A_240], %mul3A_238 {strides = array<i32>} : memref<128x128xf32, #tpu.memory_space<vmem>>, vector<16xf32>,
        %mul3A_242 = arith.mulf %get3A_185, %gather3A_147 : vector<16xf32>
        %swap3A_243 = arith.index_cast %add3A_144 : i32 to index
        %swap3A_244 = arith.constant 64 : index
        %swap3A_245 = tpu.vector_load %arg13[%swap3A_243, %swap3A_244] {strides = array<i32>} : memref<128x128xf32, #tpu.memory_space<vmem>>, vector<16xf32>,
        tpu.vector_store %arg13[%swap3A_243, %swap3A_244], %mul3A_242 {strides = array<i32>} : memref<128x128xf32, #tpu.memory_space<vmem>>, vector<16xf32>,
        %mul3A_246 = arith.mulf %get3A_188, %gather3A_147 : vector<16xf32>
        %swap3A_247 = arith.index_cast %add3A_144 : i32 to index
        %swap3A_248 = arith.constant 80 : index
        %swap3A_249 = tpu.vector_load %arg13[%swap3A_247, %swap3A_248] {strides = array<i32>} : memref<128x128xf32, #tpu.memory_space<vmem>>, vector<16xf32>,
        tpu.vector_store %arg13[%swap3A_247, %swap3A_248], %mul3A_246 {strides = array<i32>} : memref<128x128xf32, #tpu.memory_space<vmem>>, vector<16xf32>,
        %mul3A_250 = arith.mulf %get3A_191, %gather3A_147 : vector<16xf32>
        %swap3A_251 = arith.index_cast %add3A_144 : i32 to index
        %swap3A_252 = arith.constant 96 : index
        %swap3A_253 = tpu.vector_load %arg13[%swap3A_251, %swap3A_252] {strides = array<i32>} : memref<128x128xf32, #tpu.memory_space<vmem>>, vector<16xf32>,
        tpu.vector_store %arg13[%swap3A_251, %swap3A_252], %mul3A_250 {strides = array<i32>} : memref<128x128xf32, #tpu.memory_space<vmem>>, vector<16xf32>,
        %mul3A_254 = arith.mulf %get3A_194, %gather3A_147 : vector<16xf32>
        %swap3A_255 = arith.index_cast %add3A_144 : i32 to index
        %swap3A_256 = arith.constant 112 : index
        %swap3A_257 = tpu.vector_load %arg13[%swap3A_255, %swap3A_256] {strides = array<i32>} : memref<128x128xf32, #tpu.memory_space<vmem>>, vector<16xf32>,
        tpu.vector_store %arg13[%swap3A_255, %swap3A_256], %mul3A_254 {strides = array<i32>} : memref<128x128xf32, #tpu.memory_space<vmem>>, vector<16xf32>,
      }
      %scan3A_94 = arith.constant 64 : i32
      %dma_start3A_95 = arith.constant 0 : i32
      %dma_start3A_96 = arith.constant 0 : i32
      %dma_start3A_97 = tpu.memref_slice %arg15[%dma_start3A_95, %dma_start3A_96] : memref<10112x128xf32, #tpu.memory_space<vmem_shared>> -> memref<10112x128xf32, #tpu.memory_space<vmem_shared>>
      tpu.enqueue_indirect_dma source(%arg13 : memref<128x128xf32, #tpu.memory_space<vmem>>) target(%dma_start3A_97 : memref<10112x128xf32, #tpu.memory_space<vmem_shared>>) offsets(%arg8 : memref<128xi32, #tpu.memory_space<vmem>>) semaphore(%arg19 : memref<!tpu.dma_semaphore, #tpu.memory_space<semaphore_mem>>) {add = true}
      %mul3A_98 = arith.constant 2 : i32
      %mul3A_99 = arith.muli %mul3A_98, %scan3A_55 : i32
      %add3A_100 = arith.constant 1 : i32
      %add3A_101 = arith.addi %mul3A_99, %add3A_100 : i32
      %ge3A_102 = arith.constant 1 : i32
      %ge3A_103 = arith.cmpi sge, %scan3A_55, %ge3A_102 : i32
      %convert_element_type3A_104 = arith.extui %ge3A_103 : i1 to i32
      %cond3A_105 = arith.constant 0 : i32
      %cond3A_106 = arith.cmpi ne, %convert_element_type3A_104, %cond3A_105 : i32
      scf.if %cond3A_106 {
        %dma_wait3A_140 = arith.constant 0 : i32
        %dma_wait3A_141 = arith.constant 0 : i32
        %dma_wait3A_142 = tpu.memref_slice %arg15[%dma_wait3A_140, %dma_wait3A_141] : memref<10112x128xf32, #tpu.memory_space<vmem_shared>> -> memref<10112x128xf32, #tpu.memory_space<vmem_shared>>
        tpu.wait_indirect_dma semaphore(%arg20 : memref<!tpu.dma_semaphore, #tpu.memory_space<semaphore_mem>>) src(%arg14 : memref<128x128xf32, #tpu.memory_space<vmem>>) dst(%dma_wait3A_142 : memref<10112x128xf32, #tpu.memory_space<vmem_shared>>)
      } else {
      }
      %dma_wait3A_107 = arith.constant 0 : i32
      %dma_wait3A_108 = tpu.memref_slice %arg3[%dma_wait3A_107] : memref<327680xi32, #tpu.memory_space<hbm>> -> memref<128xi32, #tpu.memory_space<hbm>>
      %dma_wait3A_109 = arith.constant 0 : i32
      %dma_wait3A_110 = tpu.memref_slice %arg3[%dma_wait3A_109] : memref<327680xi32, #tpu.memory_space<hbm>> -> memref<128xi32, #tpu.memory_space<hbm>>
      tpu.wait_dma2 semaphore(%arg18 : memref<!tpu.dma_semaphore, #tpu.memory_space<semaphore_mem>>) src(%dma_wait3A_110 : memref<128xi32, #tpu.memory_space<hbm>>) dst(%arg10 : memref<128xi32, #tpu.memory_space<vmem>>)
      %dma_wait3A_111 = arith.constant 0 : i32
      %dma_wait3A_112 = tpu.memref_slice %arg3[%dma_wait3A_111] : memref<327680xi32, #tpu.memory_space<hbm>> -> memref<128xi32, #tpu.memory_space<hbm>>
      %dma_wait3A_113 = arith.constant 0 : i32
      %dma_wait3A_114 = tpu.memref_slice %arg3[%dma_wait3A_113] : memref<327680xi32, #tpu.memory_space<hbm>> -> memref<128xi32, #tpu.memory_space<hbm>>
      tpu.wait_dma2 semaphore(%arg18 : memref<!tpu.dma_semaphore, #tpu.memory_space<semaphore_mem>>) src(%dma_wait3A_114 : memref<128xi32, #tpu.memory_space<hbm>>) dst(%arg11 : memref<128xi32, #tpu.memory_space<vmem>>)
      %dma_wait3A_115 = arith.constant 0 : i32
      %dma_wait3A_116 = tpu.memref_slice %arg3[%dma_wait3A_115] : memref<327680xi32, #tpu.memory_space<hbm>> -> memref<128xi32, #tpu.memory_space<hbm>>
      %dma_wait3A_117 = arith.constant 0 : i32
      %dma_wait3A_118 = tpu.memref_slice %arg3[%dma_wait3A_117] : memref<327680xi32, #tpu.memory_space<hbm>> -> memref<128xi32, #tpu.memory_space<hbm>>
      tpu.wait_dma2 semaphore(%arg18 : memref<!tpu.dma_semaphore, #tpu.memory_space<semaphore_mem>>) src(%dma_wait3A_118 : memref<128xi32, #tpu.memory_space<hbm>>) dst(%arg12 : memref<128xf32, #tpu.memory_space<vmem>>)
      %dma_start3A_119 = arith.constant 0 : i32
      %dma_start3A_120 = arith.constant 0 : i32
      %dma_start3A_121 = tpu.memref_slice %arg2[%dma_start3A_119, %dma_start3A_120] : memref<10000x128xf32, #tpu.memory_space<hbm>> -> memref<10000x128xf32, #tpu.memory_space<hbm>>
      tpu.enqueue_indirect_dma source(%dma_start3A_121 : memref<10000x128xf32, #tpu.memory_space<hbm>>) target(%arg14 : memref<128x128xf32, #tpu.memory_space<vmem>>) offsets(%arg10 : memref<128xi32, #tpu.memory_space<vmem>>) semaphore(%arg16 : memref<!tpu.dma_semaphore, #tpu.memory_space<semaphore_mem>>)
      %dma_wait3A_122 = arith.constant 0 : i32
      %dma_wait3A_123 = arith.constant 0 : i32
      %dma_wait3A_124 = tpu.memref_slice %arg2[%dma_wait3A_122, %dma_wait3A_123] : memref<10000x128xf32, #tpu.memory_space<hbm>> -> memref<10000x128xf32, #tpu.memory_space<hbm>>
      tpu.wait_indirect_dma semaphore(%arg16 : memref<!tpu.dma_semaphore, #tpu.memory_space<semaphore_mem>>) src(%dma_wait3A_124 : memref<10000x128xf32, #tpu.memory_space<hbm>>) dst(%arg14 : memref<128x128xf32, #tpu.memory_space<vmem>>)
      %add3A_125 = arith.constant 1 : i32
      %add3A_126 = arith.addi %add3A_101, %add3A_125 : i32
      %lt3A = arith.constant 80 : i32
      %lt3A_127 = arith.cmpi slt, %add3A_126, %lt3A : i32
      %convert_element_type3A_128 = arith.extui %lt3A_127 : i1 to i32
      %cond3A_129 = arith.constant 0 : i32
      %cond3A_130 = arith.cmpi ne, %convert_element_type3A_128, %cond3A_129 : i32
      scf.if %cond3A_130 {
        %add3A_140 = arith.constant 1 : i32
        %add3A_141 = arith.addi %add3A_101, %add3A_140 : i32
        %mul3A_142 = arith.constant 128 : i32
        %mul3A_143 = arith.muli %add3A_141, %mul3A_142 : i32
        %add3A_144 = arith.addi %mul3A_28, %mul3A_143 : i32
        %dma_start3A_145 = tpu.memref_slice %arg3[%add3A_144] : memref<327680xi32, #tpu.memory_space<hbm>> -> memref<128xi32, #tpu.memory_space<hbm>>
        %dma_start3A_146 = tpu.memref_slice %arg3[%add3A_144] : memref<327680xi32, #tpu.memory_space<hbm>> -> memref<128xi32, #tpu.memory_space<hbm>>
        tpu.enqueue_dma source(%dma_start3A_146 : memref<128xi32, #tpu.memory_space<hbm>>) target(%arg7 : memref<128xi32, #tpu.memory_space<vmem>>) target_semaphore(%arg17 : memref<!tpu.dma_semaphore, #tpu.memory_space<semaphore_mem>>)
        %dma_start3A_147 = tpu.memref_slice %arg4[%add3A_144] : memref<327680xi32, #tpu.memory_space<hbm>> -> memref<128xi32, #tpu.memory_space<hbm>>
        %dma_start3A_148 = tpu.memref_slice %arg4[%add3A_144] : memref<327680xi32, #tpu.memory_space<hbm>> -> memref<128xi32, #tpu.memory_space<hbm>>
        tpu.enqueue_dma source(%dma_start3A_148 : memref<128xi32, #tpu.memory_space<hbm>>) target(%arg8 : memref<128xi32, #tpu.memory_space<vmem>>) target_semaphore(%arg17 : memref<!tpu.dma_semaphore, #tpu.memory_space<semaphore_mem>>)
        %dma_start3A_149 = tpu.memref_slice %arg5[%add3A_144] : memref<327680xf32, #tpu.memory_space<hbm>> -> memref<128xf32, #tpu.memory_space<hbm>>
        %dma_start3A_150 = tpu.memref_slice %arg5[%add3A_144] : memref<327680xf32, #tpu.memory_space<hbm>> -> memref<128xf32, #tpu.memory_space<hbm>>
        tpu.enqueue_dma source(%dma_start3A_150 : memref<128xf32, #tpu.memory_space<hbm>>) target(%arg9 : memref<128xf32, #tpu.memory_space<vmem>>) target_semaphore(%arg17 : memref<!tpu.dma_semaphore, #tpu.memory_space<semaphore_mem>>)
      } else {
      }
      %scan3A_131 = arith.constant 0 : i32
      %scan3A_132 = arith.constant 0 : i32
      %scan3A_133 = arith.constant 64 : i32
      %scan3A_134 = arith.addi %scan3A_132, %scan3A_133 : i32
      %scan3A_135 = arith.constant 1 : i32
      scf.for %scan3A_140 = %scan3A_132 to %scan3A_134 step %scan3A_135  : i32 {
        %mul3A_141 = arith.constant 2 : i32
        %mul3A_142 = arith.muli %scan3A_140, %mul3A_141 : i32
        %add3A_143 = arith.constant 1 : i32
        %add3A_144 = arith.addi %mul3A_142, %add3A_143 : i32
        %broadcast_in_dim3A_145 = vector.broadcast %mul3A_142 : i32 to vector<16xi32>
        %gather3A = tpu.vector_load_idx %arg12[%broadcast_in_dim3A_145] : memref<128xf32, #tpu.memory_space<vmem>>[vector<16xi32>], vector<16xf32>,
        %broadcast_in_dim3A_146 = vector.broadcast %add3A_144 : i32 to vector<16xi32>
        %gather3A_147 = tpu.vector_load_idx %arg12[%broadcast_in_dim3A_146] : memref<128xf32, #tpu.memory_space<vmem>>[vector<16xi32>], vector<16xf32>,
        %get3A = arith.index_cast %mul3A_142 : i32 to index
        %get3A_148 = arith.constant 0 : index
        %get3A_149 = tpu.vector_load %arg14[%get3A, %get3A_148] {strides = array<i32>} : memref<128x128xf32, #tpu.memory_space<vmem>>, vector<16xf32>,
        %get3A_150 = arith.index_cast %mul3A_142 : i32 to index
        %get3A_151 = arith.constant 16 : index
        %get3A_152 = tpu.vector_load %arg14[%get3A_150, %get3A_151] {strides = array<i32>} : memref<128x128xf32, #tpu.memory_space<vmem>>, vector<16xf32>,
        %get3A_153 = arith.index_cast %mul3A_142 : i32 to index
        %get3A_154 = arith.constant 32 : index
        %get3A_155 = tpu.vector_load %arg14[%get3A_153, %get3A_154] {strides = array<i32>} : memref<128x128xf32, #tpu.memory_space<vmem>>, vector<16xf32>,
        %get3A_156 = arith.index_cast %mul3A_142 : i32 to index
        %get3A_157 = arith.constant 48 : index
        %get3A_158 = tpu.vector_load %arg14[%get3A_156, %get3A_157] {strides = array<i32>} : memref<128x128xf32, #tpu.memory_space<vmem>>, vector<16xf32>,
        %get3A_159 = arith.index_cast %mul3A_142 : i32 to index
        %get3A_160 = arith.constant 64 : index
        %get3A_161 = tpu.vector_load %arg14[%get3A_159, %get3A_160] {strides = array<i32>} : memref<128x128xf32, #tpu.memory_space<vmem>>, vector<16xf32>,
        %get3A_162 = arith.index_cast %mul3A_142 : i32 to index
        %get3A_163 = arith.constant 80 : index
        %get3A_164 = tpu.vector_load %arg14[%get3A_162, %get3A_163] {strides = array<i32>} : memref<128x128xf32, #tpu.memory_space<vmem>>, vector<16xf32>,
        %get3A_165 = arith.index_cast %mul3A_142 : i32 to index
        %get3A_166 = arith.constant 96 : index
        %get3A_167 = tpu.vector_load %arg14[%get3A_165, %get3A_166] {strides = array<i32>} : memref<128x128xf32, #tpu.memory_space<vmem>>, vector<16xf32>,
        %get3A_168 = arith.index_cast %mul3A_142 : i32 to index
        %get3A_169 = arith.constant 112 : index
        %get3A_170 = tpu.vector_load %arg14[%get3A_168, %get3A_169] {strides = array<i32>} : memref<128x128xf32, #tpu.memory_space<vmem>>, vector<16xf32>,
        %get3A_171 = arith.index_cast %add3A_144 : i32 to index
        %get3A_172 = arith.constant 0 : index
        %get3A_173 = tpu.vector_load %arg14[%get3A_171, %get3A_172] {strides = array<i32>} : memref<128x128xf32, #tpu.memory_space<vmem>>, vector<16xf32>,
        %get3A_174 = arith.index_cast %add3A_144 : i32 to index
        %get3A_175 = arith.constant 16 : index
        %get3A_176 = tpu.vector_load %arg14[%get3A_174, %get3A_175] {strides = array<i32>} : memref<128x128xf32, #tpu.memory_space<vmem>>, vector<16xf32>,
        %get3A_177 = arith.index_cast %add3A_144 : i32 to index
        %get3A_178 = arith.constant 32 : index
        %get3A_179 = tpu.vector_load %arg14[%get3A_177, %get3A_178] {strides = array<i32>} : memref<128x128xf32, #tpu.memory_space<vmem>>, vector<16xf32>,
        %get3A_180 = arith.index_cast %add3A_144 : i32 to index
        %get3A_181 = arith.constant 48 : index
        %get3A_182 = tpu.vector_load %arg14[%get3A_180, %get3A_181] {strides = array<i32>} : memref<128x128xf32, #tpu.memory_space<vmem>>, vector<16xf32>,
        %get3A_183 = arith.index_cast %add3A_144 : i32 to index
        %get3A_184 = arith.constant 64 : index
        %get3A_185 = tpu.vector_load %arg14[%get3A_183, %get3A_184] {strides = array<i32>} : memref<128x128xf32, #tpu.memory_space<vmem>>, vector<16xf32>,
        %get3A_186 = arith.index_cast %add3A_144 : i32 to index
        %get3A_187 = arith.constant 80 : index
        %get3A_188 = tpu.vector_load %arg14[%get3A_186, %get3A_187] {strides = array<i32>} : memref<128x128xf32, #tpu.memory_space<vmem>>, vector<16xf32>,
        %get3A_189 = arith.index_cast %add3A_144 : i32 to index
        %get3A_190 = arith.constant 96 : index
        %get3A_191 = tpu.vector_load %arg14[%get3A_189, %get3A_190] {strides = array<i32>} : memref<128x128xf32, #tpu.memory_space<vmem>>, vector<16xf32>,
        %get3A_192 = arith.index_cast %add3A_144 : i32 to index
        %get3A_193 = arith.constant 112 : index
        %get3A_194 = tpu.vector_load %arg14[%get3A_192, %get3A_193] {strides = array<i32>} : memref<128x128xf32, #tpu.memory_space<vmem>>, vector<16xf32>,
        %mul3A_195 = arith.mulf %get3A_149, %gather3A : vector<16xf32>
        %swap3A = arith.index_cast %mul3A_142 : i32 to index
        %swap3A_196 = arith.constant 0 : index
        %swap3A_197 = tpu.vector_load %arg14[%swap3A, %swap3A_196] {strides = array<i32>} : memref<128x128xf32, #tpu.memory_space<vmem>>, vector<16xf32>,
        tpu.vector_store %arg14[%swap3A, %swap3A_196], %mul3A_195 {strides = array<i32>} : memref<128x128xf32, #tpu.memory_space<vmem>>, vector<16xf32>,
        %mul3A_198 = arith.mulf %get3A_152, %gather3A : vector<16xf32>
        %swap3A_199 = arith.index_cast %mul3A_142 : i32 to index
        %swap3A_200 = arith.constant 16 : index
        %swap3A_201 = tpu.vector_load %arg14[%swap3A_199, %swap3A_200] {strides = array<i32>} : memref<128x128xf32, #tpu.memory_space<vmem>>, vector<16xf32>,
        tpu.vector_store %arg14[%swap3A_199, %swap3A_200], %mul3A_198 {strides = array<i32>} : memref<128x128xf32, #tpu.memory_space<vmem>>, vector<16xf32>,
        %mul3A_202 = arith.mulf %get3A_155, %gather3A : vector<16xf32>
        %swap3A_203 = arith.index_cast %mul3A_142 : i32 to index
        %swap3A_204 = arith.constant 32 : index
        %swap3A_205 = tpu.vector_load %arg14[%swap3A_203, %swap3A_204] {strides = array<i32>} : memref<128x128xf32, #tpu.memory_space<vmem>>, vector<16xf32>,
        tpu.vector_store %arg14[%swap3A_203, %swap3A_204], %mul3A_202 {strides = array<i32>} : memref<128x128xf32, #tpu.memory_space<vmem>>, vector<16xf32>,
        %mul3A_206 = arith.mulf %get3A_158, %gather3A : vector<16xf32>
        %swap3A_207 = arith.index_cast %mul3A_142 : i32 to index
        %swap3A_208 = arith.constant 48 : index
        %swap3A_209 = tpu.vector_load %arg14[%swap3A_207, %swap3A_208] {strides = array<i32>} : memref<128x128xf32, #tpu.memory_space<vmem>>, vector<16xf32>,
        tpu.vector_store %arg14[%swap3A_207, %swap3A_208], %mul3A_206 {strides = array<i32>} : memref<128x128xf32, #tpu.memory_space<vmem>>, vector<16xf32>,
        %mul3A_210 = arith.mulf %get3A_161, %gather3A : vector<16xf32>
        %swap3A_211 = arith.index_cast %mul3A_142 : i32 to index
        %swap3A_212 = arith.constant 64 : index
        %swap3A_213 = tpu.vector_load %arg14[%swap3A_211, %swap3A_212] {strides = array<i32>} : memref<128x128xf32, #tpu.memory_space<vmem>>, vector<16xf32>,
        tpu.vector_store %arg14[%swap3A_211, %swap3A_212], %mul3A_210 {strides = array<i32>} : memref<128x128xf32, #tpu.memory_space<vmem>>, vector<16xf32>,
        %mul3A_214 = arith.mulf %get3A_164, %gather3A : vector<16xf32>
        %swap3A_215 = arith.index_cast %mul3A_142 : i32 to index
        %swap3A_216 = arith.constant 80 : index
        %swap3A_217 = tpu.vector_load %arg14[%swap3A_215, %swap3A_216] {strides = array<i32>} : memref<128x128xf32, #tpu.memory_space<vmem>>, vector<16xf32>,
        tpu.vector_store %arg14[%swap3A_215, %swap3A_216], %mul3A_214 {strides = array<i32>} : memref<128x128xf32, #tpu.memory_space<vmem>>, vector<16xf32>,
        %mul3A_218 = arith.mulf %get3A_167, %gather3A : vector<16xf32>
        %swap3A_219 = arith.index_cast %mul3A_142 : i32 to index
        %swap3A_220 = arith.constant 96 : index
        %swap3A_221 = tpu.vector_load %arg14[%swap3A_219, %swap3A_220] {strides = array<i32>} : memref<128x128xf32, #tpu.memory_space<vmem>>, vector<16xf32>,
        tpu.vector_store %arg14[%swap3A_219, %swap3A_220], %mul3A_218 {strides = array<i32>} : memref<128x128xf32, #tpu.memory_space<vmem>>, vector<16xf32>,
        %mul3A_222 = arith.mulf %get3A_170, %gather3A : vector<16xf32>
        %swap3A_223 = arith.index_cast %mul3A_142 : i32 to index
        %swap3A_224 = arith.constant 112 : index
        %swap3A_225 = tpu.vector_load %arg14[%swap3A_223, %swap3A_224] {strides = array<i32>} : memref<128x128xf32, #tpu.memory_space<vmem>>, vector<16xf32>,
        tpu.vector_store %arg14[%swap3A_223, %swap3A_224], %mul3A_222 {strides = array<i32>} : memref<128x128xf32, #tpu.memory_space<vmem>>, vector<16xf32>,
        %mul3A_226 = arith.mulf %get3A_173, %gather3A_147 : vector<16xf32>
        %swap3A_227 = arith.index_cast %add3A_144 : i32 to index
        %swap3A_228 = arith.constant 0 : index
        %swap3A_229 = tpu.vector_load %arg14[%swap3A_227, %swap3A_228] {strides = array<i32>} : memref<128x128xf32, #tpu.memory_space<vmem>>, vector<16xf32>,
        tpu.vector_store %arg14[%swap3A_227, %swap3A_228], %mul3A_226 {strides = array<i32>} : memref<128x128xf32, #tpu.memory_space<vmem>>, vector<16xf32>,
        %mul3A_230 = arith.mulf %get3A_176, %gather3A_147 : vector<16xf32>
        %swap3A_231 = arith.index_cast %add3A_144 : i32 to index
        %swap3A_232 = arith.constant 16 : index
        %swap3A_233 = tpu.vector_load %arg14[%swap3A_231, %swap3A_232] {strides = array<i32>} : memref<128x128xf32, #tpu.memory_space<vmem>>, vector<16xf32>,
        tpu.vector_store %arg14[%swap3A_231, %swap3A_232], %mul3A_230 {strides = array<i32>} : memref<128x128xf32, #tpu.memory_space<vmem>>, vector<16xf32>,
        %mul3A_234 = arith.mulf %get3A_179, %gather3A_147 : vector<16xf32>
        %swap3A_235 = arith.index_cast %add3A_144 : i32 to index
        %swap3A_236 = arith.constant 32 : index
        %swap3A_237 = tpu.vector_load %arg14[%swap3A_235, %swap3A_236] {strides = array<i32>} : memref<128x128xf32, #tpu.memory_space<vmem>>, vector<16xf32>,
        tpu.vector_store %arg14[%swap3A_235, %swap3A_236], %mul3A_234 {strides = array<i32>} : memref<128x128xf32, #tpu.memory_space<vmem>>, vector<16xf32>,
        %mul3A_238 = arith.mulf %get3A_182, %gather3A_147 : vector<16xf32>
        %swap3A_239 = arith.index_cast %add3A_144 : i32 to index
        %swap3A_240 = arith.constant 48 : index
        %swap3A_241 = tpu.vector_load %arg14[%swap3A_239, %swap3A_240] {strides = array<i32>} : memref<128x128xf32, #tpu.memory_space<vmem>>, vector<16xf32>,
        tpu.vector_store %arg14[%swap3A_239, %swap3A_240], %mul3A_238 {strides = array<i32>} : memref<128x128xf32, #tpu.memory_space<vmem>>, vector<16xf32>,
        %mul3A_242 = arith.mulf %get3A_185, %gather3A_147 : vector<16xf32>
        %swap3A_243 = arith.index_cast %add3A_144 : i32 to index
        %swap3A_244 = arith.constant 64 : index
        %swap3A_245 = tpu.vector_load %arg14[%swap3A_243, %swap3A_244] {strides = array<i32>} : memref<128x128xf32, #tpu.memory_space<vmem>>, vector<16xf32>,
        tpu.vector_store %arg14[%swap3A_243, %swap3A_244], %mul3A_242 {strides = array<i32>} : memref<128x128xf32, #tpu.memory_space<vmem>>, vector<16xf32>,
        %mul3A_246 = arith.mulf %get3A_188, %gather3A_147 : vector<16xf32>
        %swap3A_247 = arith.index_cast %add3A_144 : i32 to index
        %swap3A_248 = arith.constant 80 : index
        %swap3A_249 = tpu.vector_load %arg14[%swap3A_247, %swap3A_248] {strides = array<i32>} : memref<128x128xf32, #tpu.memory_space<vmem>>, vector<16xf32>,
        tpu.vector_store %arg14[%swap3A_247, %swap3A_248], %mul3A_246 {strides = array<i32>} : memref<128x128xf32, #tpu.memory_space<vmem>>, vector<16xf32>,
        %mul3A_250 = arith.mulf %get3A_191, %gather3A_147 : vector<16xf32>
        %swap3A_251 = arith.index_cast %add3A_144 : i32 to index
        %swap3A_252 = arith.constant 96 : index
        %swap3A_253 = tpu.vector_load %arg14[%swap3A_251, %swap3A_252] {strides = array<i32>} : memref<128x128xf32, #tpu.memory_space<vmem>>, vector<16xf32>,
        tpu.vector_store %arg14[%swap3A_251, %swap3A_252], %mul3A_250 {strides = array<i32>} : memref<128x128xf32, #tpu.memory_space<vmem>>, vector<16xf32>,
        %mul3A_254 = arith.mulf %get3A_194, %gather3A_147 : vector<16xf32>
        %swap3A_255 = arith.index_cast %add3A_144 : i32 to index
        %swap3A_256 = arith.constant 112 : index
        %swap3A_257 = tpu.vector_load %arg14[%swap3A_255, %swap3A_256] {strides = array<i32>} : memref<128x128xf32, #tpu.memory_space<vmem>>, vector<16xf32>,
        tpu.vector_store %arg14[%swap3A_255, %swap3A_256], %mul3A_254 {strides = array<i32>} : memref<128x128xf32, #tpu.memory_space<vmem>>, vector<16xf32>,
      }
      %scan3A_136 = arith.constant 64 : i32
      %dma_start3A_137 = arith.constant 0 : i32
      %dma_start3A_138 = arith.constant 0 : i32
      %dma_start3A_139 = tpu.memref_slice %arg15[%dma_start3A_137, %dma_start3A_138] : memref<10112x128xf32, #tpu.memory_space<vmem_shared>> -> memref<10112x128xf32, #tpu.memory_space<vmem_shared>>
      tpu.enqueue_indirect_dma source(%arg14 : memref<128x128xf32, #tpu.memory_space<vmem>>) target(%dma_start3A_139 : memref<10112x128xf32, #tpu.memory_space<vmem_shared>>) offsets(%arg11 : memref<128xi32, #tpu.memory_space<vmem>>) semaphore(%arg20 : memref<!tpu.dma_semaphore, #tpu.memory_space<semaphore_mem>>) {add = true}
    }
    %scan3A_41 = arith.constant 40 : i32
    %dma_wait3A = arith.constant 0 : i32
    %dma_wait3A_42 = arith.constant 0 : i32
    %dma_wait3A_43 = tpu.memref_slice %arg15[%dma_wait3A, %dma_wait3A_42] : memref<10112x128xf32, #tpu.memory_space<vmem_shared>> -> memref<10112x128xf32, #tpu.memory_space<vmem_shared>>
    tpu.wait_indirect_dma semaphore(%arg19 : memref<!tpu.dma_semaphore, #tpu.memory_space<semaphore_mem>>) src(%arg13 : memref<128x128xf32, #tpu.memory_space<vmem>>) dst(%dma_wait3A_43 : memref<10112x128xf32, #tpu.memory_space<vmem_shared>>)
    %dma_wait3A_44 = arith.constant 0 : i32
    %dma_wait3A_45 = arith.constant 0 : i32
    %dma_wait3A_46 = tpu.memref_slice %arg15[%dma_wait3A_44, %dma_wait3A_45] : memref<10112x128xf32, #tpu.memory_space<vmem_shared>> -> memref<10112x128xf32, #tpu.memory_space<vmem_shared>>
    tpu.wait_indirect_dma semaphore(%arg20 : memref<!tpu.dma_semaphore, #tpu.memory_space<semaphore_mem>>) src(%arg14 : memref<128x128xf32, #tpu.memory_space<vmem>>) dst(%dma_wait3A_46 : memref<10112x128xf32, #tpu.memory_space<vmem_shared>>)
    %barrier3A_47 = arith.constant 0 : index
    tpu.barrier barrier_id(%barrier3A_47)
    %mul3A_48 = arith.constant 632 : i32
    %mul3A_49 = arith.muli %arg1, %mul3A_48 : i32
    %mul3A_50 = arith.constant 10112 : i32
    %mul3A_51 = arith.muli %arg0, %mul3A_50 : i32
    %mul3A_52 = arith.constant 632 : i32
    %mul3A_53 = arith.muli %arg1, %mul3A_52 : i32
    %add3A_54 = arith.addi %mul3A_51, %mul3A_53 : i32
    "tpu.region"() ({
      %run_scoped3A = tpu.sem_alloc : memref<!tpu.dma_semaphore, #tpu.memory_space<semaphore_mem>>
      %dma_start3A_55 = arith.constant 0 : i32
      %dma_start3A_56 = tpu.memref_slice %arg6[%add3A_54, %dma_start3A_55] : memref<20224x128xf32, #tpu.memory_space<hbm>> -> memref<632x128xf32, #tpu.memory_space<hbm>>
      %dma_start3A_57 = arith.constant 0 : i32
      %dma_start3A_58 = tpu.memref_slice %arg15[%mul3A_49, %dma_start3A_57] : memref<10112x128xf32, #tpu.memory_space<vmem_shared>> -> memref<632x128xf32, #tpu.memory_space<vmem_shared>>
      tpu.enqueue_dma source(%dma_start3A_58 : memref<632x128xf32, #tpu.memory_space<vmem_shared>>) target(%dma_start3A_56 : memref<632x128xf32, #tpu.memory_space<hbm>>) target_semaphore(%run_scoped3A : memref<!tpu.dma_semaphore, #tpu.memory_space<semaphore_mem>>)
      %dma_wait3A_59 = arith.constant 0 : i32
      %dma_wait3A_60 = tpu.memref_slice %arg6[%add3A_54, %dma_wait3A_59] : memref<20224x128xf32, #tpu.memory_space<hbm>> -> memref<632x128xf32, #tpu.memory_space<hbm>>
      %dma_wait3A_61 = arith.constant 0 : i32
      %dma_wait3A_62 = tpu.memref_slice %arg15[%mul3A_49, %dma_wait3A_61] : memref<10112x128xf32, #tpu.memory_space<vmem_shared>> -> memref<632x128xf32, #tpu.memory_space<vmem_shared>>
      tpu.wait_dma2 semaphore(%run_scoped3A : memref<!tpu.dma_semaphore, #tpu.memory_space<semaphore_mem>>) src(%dma_wait3A_62 : memref<632x128xf32, #tpu.memory_space<vmem_shared>>) dst(%dma_wait3A_60 : memref<632x128xf32, #tpu.memory_space<hbm>>)
      tpu.yield
    }) : () -> ()
    return
  }
}

#map = affine_map<(d0, d1) -> (0, 0)>
#map1 = affine_map<(d0, d1) -> (0)>
module attributes {stable_mosaic.version = 14 : i64} {
  func.func @spmm(%arg0: i32, %arg1: i32, %arg2: memref<10000x128xf32, #tpu.memory_space<hbm>>, %arg3: memref<327680xi32, #tpu.memory_space<hbm>>, %arg4: memref<327680xi32, #tpu.memory_space<hbm>>, %arg5: memref<327680xf32, #tpu.memory_space<hbm>>, %arg6: memref<20224x128xf32, #tpu.memory_space<hbm>>, %arg7: memref<128xi32, #tpu.memory_space<vmem>>, %arg8: memref<128xi32, #tpu.memory_space<vmem>>, %arg9: memref<128xf32, #tpu.memory_space<vmem>>, %arg10: memref<128xi32, #tpu.memory_space<vmem>>, %arg11: memref<128xi32, #tpu.memory_space<vmem>>, %arg12: memref<128xf32, #tpu.memory_space<vmem>>, %arg13: memref<128x128xf32, #tpu.memory_space<vmem>>, %arg14: memref<128x128xf32, #tpu.memory_space<vmem>>, %arg15: memref<10112x128xf32, #tpu.memory_space<vmem_shared>>, %arg16: memref<!tpu.dma_semaphore, #tpu.memory_space<semaphore_mem>>, %arg17: memref<!tpu.dma_semaphore, #tpu.memory_space<semaphore_mem>>, %arg18: memref<!tpu.dma_semaphore, #tpu.memory_space<semaphore_mem>>, %arg19: memref<!tpu.dma_semaphore, #tpu.memory_space<semaphore_mem>>, %arg20: memref<!tpu.dma_semaphore, #tpu.memory_space<semaphore_mem>>) attributes {dimension_semantics = [#tpu.dimension_semantics<core_parallel>, #tpu.dimension_semantics<subcore_parallel>], iteration_bounds = array<i64: 2, 16>, scalar_prefetch = 0 : i64, scratch_operands = 14 : i64, tpu.core_type = #tpu.core_type<sc_vector_subcore>, window_params = [{transform_indices = #map}, {transform_indices = #map1}, {transform_indices = #map1}, {transform_indices = #map1}, {transform_indices = #map}]} {
    %mul3A = arith.constant 2 : i32
    %mul3A_0 = arith.muli %arg1, %mul3A : i32
    %add3A = arith.addi %mul3A_0, %arg0 : i32
    %broadcast_in_dim3A = arith.constant 0.000000e+00 : f32
    %broadcast_in_dim3A_1 = vector.broadcast %broadcast_in_dim3A : f32 to vector<16xf32>
    %scan3A = arith.constant 0 : i32
    %scan3A_2 = arith.constant 0 : i32
    %scan3A_3 = arith.constant 128 : i32
    %scan3A_4 = arith.addi %scan3A_2, %scan3A_3 : i32
    %scan3A_5 = arith.constant 1 : i32
    scf.for %scan3A_55 = %scan3A_2 to %scan3A_4 step %scan3A_5  : i32 {
      %swap3A = arith.index_cast %scan3A_55 : i32 to index
      %swap3A_56 = arith.constant 0 : index
      %swap3A_57 = tpu.vector_load %arg13[%swap3A, %swap3A_56] {strides = array<i32>} : memref<128x128xf32, #tpu.memory_space<vmem>>, vector<16xf32>,
      tpu.vector_store %arg13[%swap3A, %swap3A_56], %broadcast_in_dim3A_1 {strides = array<i32>} : memref<128x128xf32, #tpu.memory_space<vmem>>, vector<16xf32>,
      %swap3A_58 = arith.index_cast %scan3A_55 : i32 to index
      %swap3A_59 = arith.constant 16 : index
      %swap3A_60 = tpu.vector_load %arg13[%swap3A_58, %swap3A_59] {strides = array<i32>} : memref<128x128xf32, #tpu.memory_space<vmem>>, vector<16xf32>,
      tpu.vector_store %arg13[%swap3A_58, %swap3A_59], %broadcast_in_dim3A_1 {strides = array<i32>} : memref<128x128xf32, #tpu.memory_space<vmem>>, vector<16xf32>,
      %swap3A_61 = arith.index_cast %scan3A_55 : i32 to index
      %swap3A_62 = arith.constant 32 : index
      %swap3A_63 = tpu.vector_load %arg13[%swap3A_61, %swap3A_62] {strides = array<i32>} : memref<128x128xf32, #tpu.memory_space<vmem>>, vector<16xf32>,
      tpu.vector_store %arg13[%swap3A_61, %swap3A_62], %broadcast_in_dim3A_1 {strides = array<i32>} : memref<128x128xf32, #tpu.memory_space<vmem>>, vector<16xf32>,
      %swap3A_64 = arith.index_cast %scan3A_55 : i32 to index
      %swap3A_65 = arith.constant 48 : index
      %swap3A_66 = tpu.vector_load %arg13[%swap3A_64, %swap3A_65] {strides = array<i32>} : memref<128x128xf32, #tpu.memory_space<vmem>>, vector<16xf32>,
      tpu.vector_store %arg13[%swap3A_64, %swap3A_65], %broadcast_in_dim3A_1 {strides = array<i32>} : memref<128x128xf32, #tpu.memory_space<vmem>>, vector<16xf32>,
      %swap3A_67 = arith.index_cast %scan3A_55 : i32 to index
      %swap3A_68 = arith.constant 64 : index
      %swap3A_69 = tpu.vector_load %arg13[%swap3A_67, %swap3A_68] {strides = array<i32>} : memref<128x128xf32, #tpu.memory_space<vmem>>, vector<16xf32>,
      tpu.vector_store %arg13[%swap3A_67, %swap3A_68], %broadcast_in_dim3A_1 {strides = array<i32>} : memref<128x128xf32, #tpu.memory_space<vmem>>, vector<16xf32>,
      %swap3A_70 = arith.index_cast %scan3A_55 : i32 to index
      %swap3A_71 = arith.constant 80 : index
      %swap3A_72 = tpu.vector_load %arg13[%swap3A_70, %swap3A_71] {strides = array<i32>} : memref<128x128xf32, #tpu.memory_space<vmem>>, vector<16xf32>,
      tpu.vector_store %arg13[%swap3A_70, %swap3A_71], %broadcast_in_dim3A_1 {strides = array<i32>} : memref<128x128xf32, #tpu.memory_space<vmem>>, vector<16xf32>,
      %swap3A_73 = arith.index_cast %scan3A_55 : i32 to index
      %swap3A_74 = arith.constant 96 : index
      %swap3A_75 = tpu.vector_load %arg13[%swap3A_73, %swap3A_74] {strides = array<i32>} : memref<128x128xf32, #tpu.memory_space<vmem>>, vector<16xf32>,
      tpu.vector_store %arg13[%swap3A_73, %swap3A_74], %broadcast_in_dim3A_1 {strides = array<i32>} : memref<128x128xf32, #tpu.memory_space<vmem>>, vector<16xf32>,
      %swap3A_76 = arith.index_cast %scan3A_55 : i32 to index
      %swap3A_77 = arith.constant 112 : index
      %swap3A_78 = tpu.vector_load %arg13[%swap3A_76, %swap3A_77] {strides = array<i32>} : memref<128x128xf32, #tpu.memory_space<vmem>>, vector<16xf32>,
      tpu.vector_store %arg13[%swap3A_76, %swap3A_77], %broadcast_in_dim3A_1 {strides = array<i32>} : memref<128x128xf32, #tpu.memory_space<vmem>>, vector<16xf32>,
    }
    %scan3A_6 = arith.constant 128 : i32
    %mul3A_7 = arith.constant 632 : i32
    %mul3A_8 = arith.muli %arg1, %mul3A_7 : i32
    %add3A_9 = arith.constant 0 : i32
    %add3A_10 = arith.addi %mul3A_8, %add3A_9 : i32
    "tpu.region"() ({
      %run_scoped3A = tpu.sem_alloc : memref<!tpu.dma_semaphore, #tpu.memory_space<semaphore_mem>>
      %dma_start3A_55 = arith.constant 0 : i32
      %dma_start3A_56 = tpu.memref_slice %arg15[%add3A_10, %dma_start3A_55] : memref<10112x128xf32, #tpu.memory_space<vmem_shared>> -> memref<128x128xf32, #tpu.memory_space<vmem_shared>>
      %dma_start3A_57 = arith.constant 0 : i32
      %dma_start3A_58 = tpu.memref_slice %arg15[%add3A_10, %dma_start3A_57] : memref<10112x128xf32, #tpu.memory_space<vmem_shared>> -> memref<128x128xf32, #tpu.memory_space<vmem_shared>>
      tpu.enqueue_dma source(%arg13 : memref<128x128xf32, #tpu.memory_space<vmem>>) target(%dma_start3A_58 : memref<128x128xf32, #tpu.memory_space<vmem_shared>>) target_semaphore(%run_scoped3A : memref<!tpu.dma_semaphore, #tpu.memory_space<semaphore_mem>>)
      %dma_wait3A_59 = arith.constant 0 : i32
      %dma_wait3A_60 = tpu.memref_slice %arg15[%add3A_10, %dma_wait3A_59] : memref<10112x128xf32, #tpu.memory_space<vmem_shared>> -> memref<128x128xf32, #tpu.memory_space<vmem_shared>>
      %dma_wait3A_61 = arith.constant 0 : i32
      %dma_wait3A_62 = tpu.memref_slice %arg15[%add3A_10, %dma_wait3A_61] : memref<10112x128xf32, #tpu.memory_space<vmem_shared>> -> memref<128x128xf32, #tpu.memory_space<vmem_shared>>
      tpu.wait_dma2 semaphore(%run_scoped3A : memref<!tpu.dma_semaphore, #tpu.memory_space<semaphore_mem>>) src(%arg13 : memref<128x128xf32, #tpu.memory_space<vmem>>) dst(%dma_wait3A_62 : memref<128x128xf32, #tpu.memory_space<vmem_shared>>)
      tpu.yield
    }) : () -> ()
    %mul3A_11 = arith.constant 632 : i32
    %mul3A_12 = arith.muli %arg1, %mul3A_11 : i32
    %add3A_13 = arith.constant 128 : i32
    %add3A_14 = arith.addi %mul3A_12, %add3A_13 : i32
    "tpu.region"() ({
      %run_scoped3A = tpu.sem_alloc : memref<!tpu.dma_semaphore, #tpu.memory_space<semaphore_mem>>
      %dma_start3A_55 = arith.constant 0 : i32
      %dma_start3A_56 = tpu.memref_slice %arg15[%add3A_14, %dma_start3A_55] : memref<10112x128xf32, #tpu.memory_space<vmem_shared>> -> memref<128x128xf32, #tpu.memory_space<vmem_shared>>
      %dma_start3A_57 = arith.constant 0 : i32
      %dma_start3A_58 = tpu.memref_slice %arg15[%add3A_14, %dma_start3A_57] : memref<10112x128xf32, #tpu.memory_space<vmem_shared>> -> memref<128x128xf32, #tpu.memory_space<vmem_shared>>
      tpu.enqueue_dma source(%arg13 : memref<128x128xf32, #tpu.memory_space<vmem>>) target(%dma_start3A_58 : memref<128x128xf32, #tpu.memory_space<vmem_shared>>) target_semaphore(%run_scoped3A : memref<!tpu.dma_semaphore, #tpu.memory_space<semaphore_mem>>)
      %dma_wait3A_59 = arith.constant 0 : i32
      %dma_wait3A_60 = tpu.memref_slice %arg15[%add3A_14, %dma_wait3A_59] : memref<10112x128xf32, #tpu.memory_space<vmem_shared>> -> memref<128x128xf32, #tpu.memory_space<vmem_shared>>
      %dma_wait3A_61 = arith.constant 0 : i32
      %dma_wait3A_62 = tpu.memref_slice %arg15[%add3A_14, %dma_wait3A_61] : memref<10112x128xf32, #tpu.memory_space<vmem_shared>> -> memref<128x128xf32, #tpu.memory_space<vmem_shared>>
      tpu.wait_dma2 semaphore(%run_scoped3A : memref<!tpu.dma_semaphore, #tpu.memory_space<semaphore_mem>>) src(%arg13 : memref<128x128xf32, #tpu.memory_space<vmem>>) dst(%dma_wait3A_62 : memref<128x128xf32, #tpu.memory_space<vmem_shared>>)
      tpu.yield
    }) : () -> ()
    %mul3A_15 = arith.constant 632 : i32
    %mul3A_16 = arith.muli %arg1, %mul3A_15 : i32
    %add3A_17 = arith.constant 256 : i32
    %add3A_18 = arith.addi %mul3A_16, %add3A_17 : i32
    "tpu.region"() ({
      %run_scoped3A = tpu.sem_alloc : memref<!tpu.dma_semaphore, #tpu.memory_space<semaphore_mem>>
      %dma_start3A_55 = arith.constant 0 : i32
      %dma_start3A_56 = tpu.memref_slice %arg15[%add3A_18, %dma_start3A_55] : memref<10112x128xf32, #tpu.memory_space<vmem_shared>> -> memref<128x128xf32, #tpu.memory_space<vmem_shared>>
      %dma_start3A_57 = arith.constant 0 : i32
      %dma_start3A_58 = tpu.memref_slice %arg15[%add3A_18, %dma_start3A_57] : memref<10112x128xf32, #tpu.memory_space<vmem_shared>> -> memref<128x128xf32, #tpu.memory_space<vmem_shared>>
      tpu.enqueue_dma source(%arg13 : memref<128x128xf32, #tpu.memory_space<vmem>>) target(%dma_start3A_58 : memref<128x128xf32, #tpu.memory_space<vmem_shared>>) target_semaphore(%run_scoped3A : memref<!tpu.dma_semaphore, #tpu.memory_space<semaphore_mem>>)
      %dma_wait3A_59 = arith.constant 0 : i32
      %dma_wait3A_60 = tpu.memref_slice %arg15[%add3A_18, %dma_wait3A_59] : memref<10112x128xf32, #tpu.memory_space<vmem_shared>> -> memref<128x128xf32, #tpu.memory_space<vmem_shared>>
      %dma_wait3A_61 = arith.constant 0 : i32
      %dma_wait3A_62 = tpu.memref_slice %arg15[%add3A_18, %dma_wait3A_61] : memref<10112x128xf32, #tpu.memory_space<vmem_shared>> -> memref<128x128xf32, #tpu.memory_space<vmem_shared>>
      tpu.wait_dma2 semaphore(%run_scoped3A : memref<!tpu.dma_semaphore, #tpu.memory_space<semaphore_mem>>) src(%arg13 : memref<128x128xf32, #tpu.memory_space<vmem>>) dst(%dma_wait3A_62 : memref<128x128xf32, #tpu.memory_space<vmem_shared>>)
      tpu.yield
    }) : () -> ()
    %mul3A_19 = arith.constant 632 : i32
    %mul3A_20 = arith.muli %arg1, %mul3A_19 : i32
    %add3A_21 = arith.constant 384 : i32
    %add3A_22 = arith.addi %mul3A_20, %add3A_21 : i32
    "tpu.region"() ({
      %run_scoped3A = tpu.sem_alloc : memref<!tpu.dma_semaphore, #tpu.memory_space<semaphore_mem>>
      %dma_start3A_55 = arith.constant 0 : i32
      %dma_start3A_56 = tpu.memref_slice %arg15[%add3A_22, %dma_start3A_55] : memref<10112x128xf32, #tpu.memory_space<vmem_shared>> -> memref<128x128xf32, #tpu.memory_space<vmem_shared>>
      %dma_start3A_57 = arith.constant 0 : i32
      %dma_start3A_58 = tpu.memref_slice %arg15[%add3A_22, %dma_start3A_57] : memref<10112x128xf32, #tpu.memory_space<vmem_shared>> -> memref<128x128xf32, #tpu.memory_space<vmem_shared>>
      tpu.enqueue_dma source(%arg13 : memref<128x128xf32, #tpu.memory_space<vmem>>) target(%dma_start3A_58 : memref<128x128xf32, #tpu.memory_space<vmem_shared>>) target_semaphore(%run_scoped3A : memref<!tpu.dma_semaphore, #tpu.memory_space<semaphore_mem>>)
      %dma_wait3A_59 = arith.constant 0 : i32
      %dma_wait3A_60 = tpu.memref_slice %arg15[%add3A_22, %dma_wait3A_59] : memref<10112x128xf32, #tpu.memory_space<vmem_shared>> -> memref<128x128xf32, #tpu.memory_space<vmem_shared>>
      %dma_wait3A_61 = arith.constant 0 : i32
      %dma_wait3A_62 = tpu.memref_slice %arg15[%add3A_22, %dma_wait3A_61] : memref<10112x128xf32, #tpu.memory_space<vmem_shared>> -> memref<128x128xf32, #tpu.memory_space<vmem_shared>>
      tpu.wait_dma2 semaphore(%run_scoped3A : memref<!tpu.dma_semaphore, #tpu.memory_space<semaphore_mem>>) src(%arg13 : memref<128x128xf32, #tpu.memory_space<vmem>>) dst(%dma_wait3A_62 : memref<128x128xf32, #tpu.memory_space<vmem_shared>>)
      tpu.yield
    }) : () -> ()
    %mul3A_23 = arith.constant 632 : i32
    %mul3A_24 = arith.muli %arg1, %mul3A_23 : i32
    %add3A_25 = arith.constant 512 : i32
    %add3A_26 = arith.addi %mul3A_24, %add3A_25 : i32
    "tpu.region"() ({
      %run_scoped3A = tpu.sem_alloc : memref<!tpu.dma_semaphore, #tpu.memory_space<semaphore_mem>>
      %dma_start3A_55 = arith.constant 0 : i32
      %dma_start3A_56 = arith.constant 0 : i32
      %dma_start3A_57 = tpu.memref_slice %arg13[%dma_start3A_55, %dma_start3A_56] : memref<128x128xf32, #tpu.memory_space<vmem>> -> memref<120x128xf32, #tpu.memory_space<vmem>>
      %dma_start3A_58 = arith.constant 0 : i32
      %dma_start3A_59 = tpu.memref_slice %arg15[%add3A_26, %dma_start3A_58] : memref<10112x128xf32, #tpu.memory_space<vmem_shared>> -> memref<120x128xf32, #tpu.memory_space<vmem_shared>>
      %dma_start3A_60 = arith.constant 0 : i32
      %dma_start3A_61 = tpu.memref_slice %arg15[%add3A_26, %dma_start3A_60] : memref<10112x128xf32, #tpu.memory_space<vmem_shared>> -> memref<120x128xf32, #tpu.memory_space<vmem_shared>>
      %dma_start3A_62 = arith.constant 0 : i32
      %dma_start3A_63 = arith.constant 0 : i32
      %dma_start3A_64 = tpu.memref_slice %arg13[%dma_start3A_62, %dma_start3A_63] : memref<128x128xf32, #tpu.memory_space<vmem>> -> memref<120x128xf32, #tpu.memory_space<vmem>>
      tpu.enqueue_dma source(%dma_start3A_64 : memref<120x128xf32, #tpu.memory_space<vmem>>) target(%dma_start3A_61 : memref<120x128xf32, #tpu.memory_space<vmem_shared>>) target_semaphore(%run_scoped3A : memref<!tpu.dma_semaphore, #tpu.memory_space<semaphore_mem>>)
      %dma_wait3A_65 = arith.constant 0 : i32
      %dma_wait3A_66 = arith.constant 0 : i32
      %dma_wait3A_67 = tpu.memref_slice %arg13[%dma_wait3A_65, %dma_wait3A_66] : memref<128x128xf32, #tpu.memory_space<vmem>> -> memref<120x128xf32, #tpu.memory_space<vmem>>
      %dma_wait3A_68 = arith.constant 0 : i32
      %dma_wait3A_69 = tpu.memref_slice %arg15[%add3A_26, %dma_wait3A_68] : memref<10112x128xf32, #tpu.memory_space<vmem_shared>> -> memref<120x128xf32, #tpu.memory_space<vmem_shared>>
      %dma_wait3A_70 = arith.constant 0 : i32
      %dma_wait3A_71 = tpu.memref_slice %arg15[%add3A_26, %dma_wait3A_70] : memref<10112x128xf32, #tpu.memory_space<vmem_shared>> -> memref<120x128xf32, #tpu.memory_space<vmem_shared>>
      %dma_wait3A_72 = arith.constant 0 : i32
      %dma_wait3A_73 = arith.constant 0 : i32
      %dma_wait3A_74 = tpu.memref_slice %arg13[%dma_wait3A_72, %dma_wait3A_73] : memref<128x128xf32, #tpu.memory_space<vmem>> -> memref<120x128xf32, #tpu.memory_space<vmem>>
      tpu.wait_dma2 semaphore(%run_scoped3A : memref<!tpu.dma_semaphore, #tpu.memory_space<semaphore_mem>>) src(%dma_wait3A_74 : memref<120x128xf32, #tpu.memory_space<vmem>>) dst(%dma_wait3A_71 : memref<120x128xf32, #tpu.memory_space<vmem_shared>>)
      tpu.yield
    }) : () -> ()
    %barrier3A = arith.constant 0 : index
    tpu.barrier barrier_id(%barrier3A)
    %mul3A_27 = arith.constant 10240 : i32
    %mul3A_28 = arith.muli %add3A, %mul3A_27 : i32
    %add3A_29 = arith.constant 0 : i32
    %add3A_30 = arith.addi %mul3A_28, %add3A_29 : i32
    %dma_start3A = tpu.memref_slice %arg3[%add3A_30] : memref<327680xi32, #tpu.memory_space<hbm>> -> memref<128xi32, #tpu.memory_space<hbm>>
    %dma_start3A_31 = tpu.memref_slice %arg3[%add3A_30] : memref<327680xi32, #tpu.memory_space<hbm>> -> memref<128xi32, #tpu.memory_space<hbm>>
    tpu.enqueue_dma source(%dma_start3A_31 : memref<128xi32, #tpu.memory_space<hbm>>) target(%arg7 : memref<128xi32, #tpu.memory_space<vmem>>) target_semaphore(%arg17 : memref<!tpu.dma_semaphore, #tpu.memory_space<semaphore_mem>>)
    %dma_start3A_32 = tpu.memref_slice %arg4[%add3A_30] : memref<327680xi32, #tpu.memory_space<hbm>> -> memref<128xi32, #tpu.memory_space<hbm>>
    %dma_start3A_33 = tpu.memref_slice %arg4[%add3A_30] : memref<327680xi32, #tpu.memory_space<hbm>> -> memref<128xi32, #tpu.memory_space<hbm>>
    tpu.enqueue_dma source(%dma_start3A_33 : memref<128xi32, #tpu.memory_space<hbm>>) target(%arg8 : memref<128xi32, #tpu.memory_space<vmem>>) target_semaphore(%arg17 : memref<!tpu.dma_semaphore, #tpu.memory_space<semaphore_mem>>)
    %dma_start3A_34 = tpu.memref_slice %arg5[%add3A_30] : memref<327680xf32, #tpu.memory_space<hbm>> -> memref<128xf32, #tpu.memory_space<hbm>>
    %dma_start3A_35 = tpu.memref_slice %arg5[%add3A_30] : memref<327680xf32, #tpu.memory_space<hbm>> -> memref<128xf32, #tpu.memory_space<hbm>>
    tpu.enqueue_dma source(%dma_start3A_35 : memref<128xf32, #tpu.memory_space<hbm>>) target(%arg9 : memref<128xf32, #tpu.memory_space<vmem>>) target_semaphore(%arg17 : memref<!tpu.dma_semaphore, #tpu.memory_space<semaphore_mem>>)
    %scan3A_36 = arith.constant 0 : i32
    %scan3A_37 = arith.constant 0 : i32
    %scan3A_38 = arith.constant 40 : i32
    %scan3A_39 = arith.addi %scan3A_37, %scan3A_38 : i32
    %scan3A_40 = arith.constant 1 : i32
    scf.for %scan3A_55 = %scan3A_37 to %scan3A_39 step %scan3A_40  : i32 {
      %mul3A_56 = arith.constant 2 : i32
      %mul3A_57 = arith.muli %mul3A_56, %scan3A_55 : i32
      %ge3A = arith.constant 1 : i32
      %ge3A_58 = arith.cmpi sge, %scan3A_55, %ge3A : i32
      %convert_element_type3A = arith.extui %ge3A_58 : i1 to i32
      %cond3A = arith.constant 0 : i32
      %cond3A_59 = arith.cmpi ne, %convert_element_type3A, %cond3A : i32
      scf.if %cond3A_59 {
        %dma_wait3A_140 = arith.constant 0 : i32
        %dma_wait3A_141 = arith.constant 0 : i32
        %dma_wait3A_142 = tpu.memref_slice %arg15[%dma_wait3A_140, %dma_wait3A_141] : memref<10112x128xf32, #tpu.memory_space<vmem_shared>> -> memref<10112x128xf32, #tpu.memory_space<vmem_shared>>
        tpu.wait_indirect_dma semaphore(%arg19 : memref<!tpu.dma_semaphore, #tpu.memory_space<semaphore_mem>>) src(%arg13 : memref<128x128xf32, #tpu.memory_space<vmem>>) dst(%dma_wait3A_142 : memref<10112x128xf32, #tpu.memory_space<vmem_shared>>)
      } else {
      }
      %dma_wait3A_60 = arith.constant 0 : i32
      %dma_wait3A_61 = tpu.memref_slice %arg3[%dma_wait3A_60] : memref<327680xi32, #tpu.memory_space<hbm>> -> memref<128xi32, #tpu.memory_space<hbm>>
      %dma_wait3A_62 = arith.constant 0 : i32
      %dma_wait3A_63 = tpu.memref_slice %arg3[%dma_wait3A_62] : memref<327680xi32, #tpu.memory_space<hbm>> -> memref<128xi32, #tpu.memory_space<hbm>>
      tpu.wait_dma2 semaphore(%arg17 : memref<!tpu.dma_semaphore, #tpu.memory_space<semaphore_mem>>) src(%dma_wait3A_63 : memref<128xi32, #tpu.memory_space<hbm>>) dst(%arg7 : memref<128xi32, #tpu.memory_space<vmem>>)
      %dma_wait3A_64 = arith.constant 0 : i32
      %dma_wait3A_65 = tpu.memref_slice %arg3[%dma_wait3A_64] : memref<327680xi32, #tpu.memory_space<hbm>> -> memref<128xi32, #tpu.memory_space<hbm>>
      %dma_wait3A_66 = arith.constant 0 : i32
      %dma_wait3A_67 = tpu.memref_slice %arg3[%dma_wait3A_66] : memref<327680xi32, #tpu.memory_space<hbm>> -> memref<128xi32, #tpu.memory_space<hbm>>
      tpu.wait_dma2 semaphore(%arg17 : memref<!tpu.dma_semaphore, #tpu.memory_space<semaphore_mem>>) src(%dma_wait3A_67 : memref<128xi32, #tpu.memory_space<hbm>>) dst(%arg8 : memref<128xi32, #tpu.memory_space<vmem>>)
      %dma_wait3A_68 = arith.constant 0 : i32
      %dma_wait3A_69 = tpu.memref_slice %arg3[%dma_wait3A_68] : memref<327680xi32, #tpu.memory_space<hbm>> -> memref<128xi32, #tpu.memory_space<hbm>>
      %dma_wait3A_70 = arith.constant 0 : i32
      %dma_wait3A_71 = tpu.memref_slice %arg3[%dma_wait3A_70] : memref<327680xi32, #tpu.memory_space<hbm>> -> memref<128xi32, #tpu.memory_space<hbm>>
      tpu.wait_dma2 semaphore(%arg17 : memref<!tpu.dma_semaphore, #tpu.memory_space<semaphore_mem>>) src(%dma_wait3A_71 : memref<128xi32, #tpu.memory_space<hbm>>) dst(%arg9 : memref<128xf32, #tpu.memory_space<vmem>>)
      %dma_start3A_72 = arith.constant 0 : i32
      %dma_start3A_73 = arith.constant 0 : i32
      %dma_start3A_74 = tpu.memref_slice %arg2[%dma_start3A_72, %dma_start3A_73] : memref<10000x128xf32, #tpu.memory_space<hbm>> -> memref<10000x128xf32, #tpu.memory_space<hbm>>
      tpu.enqueue_indirect_dma source(%dma_start3A_74 : memref<10000x128xf32, #tpu.memory_space<hbm>>) target(%arg13 : memref<128x128xf32, #tpu.memory_space<vmem>>) offsets(%arg7 : memref<128xi32, #tpu.memory_space<vmem>>) semaphore(%arg16 : memref<!tpu.dma_semaphore, #tpu.memory_space<semaphore_mem>>)
      %dma_wait3A_75 = arith.constant 0 : i32
      %dma_wait3A_76 = arith.constant 0 : i32
      %dma_wait3A_77 = tpu.memref_slice %arg2[%dma_wait3A_75, %dma_wait3A_76] : memref<10000x128xf32, #tpu.memory_space<hbm>> -> memref<10000x128xf32, #tpu.memory_space<hbm>>
      tpu.wait_indirect_dma semaphore(%arg16 : memref<!tpu.dma_semaphore, #tpu.memory_space<semaphore_mem>>) src(%dma_wait3A_77 : memref<10000x128xf32, #tpu.memory_space<hbm>>) dst(%arg13 : memref<128x128xf32, #tpu.memory_space<vmem>>)
      %add3A_78 = arith.constant 1 : i32
      %add3A_79 = arith.addi %mul3A_57, %add3A_78 : i32
      %mul3A_80 = arith.constant 128 : i32
      %mul3A_81 = arith.muli %add3A_79, %mul3A_80 : i32
      %add3A_82 = arith.addi %mul3A_28, %mul3A_81 : i32
      %dma_start3A_83 = tpu.memref_slice %arg3[%add3A_82] : memref<327680xi32, #tpu.memory_space<hbm>> -> memref<128xi32, #tpu.memory_space<hbm>>
      %dma_start3A_84 = tpu.memref_slice %arg3[%add3A_82] : memref<327680xi32, #tpu.memory_space<hbm>> -> memref<128xi32, #tpu.memory_space<hbm>>
      tpu.enqueue_dma source(%dma_start3A_84 : memref<128xi32, #tpu.memory_space<hbm>>) target(%arg10 : memref<128xi32, #tpu.memory_space<vmem>>) target_semaphore(%arg18 : memref<!tpu.dma_semaphore, #tpu.memory_space<semaphore_mem>>)
      %dma_start3A_85 = tpu.memref_slice %arg4[%add3A_82] : memref<327680xi32, #tpu.memory_space<hbm>> -> memref<128xi32, #tpu.memory_space<hbm>>
      %dma_start3A_86 = tpu.memref_slice %arg4[%add3A_82] : memref<327680xi32, #tpu.memory_space<hbm>> -> memref<128xi32, #tpu.memory_space<hbm>>
      tpu.enqueue_dma source(%dma_start3A_86 : memref<128xi32, #tpu.memory_space<hbm>>) target(%arg11 : memref<128xi32, #tpu.memory_space<vmem>>) target_semaphore(%arg18 : memref<!tpu.dma_semaphore, #tpu.memory_space<semaphore_mem>>)
      %dma_start3A_87 = tpu.memref_slice %arg5[%add3A_82] : memref<327680xf32, #tpu.memory_space<hbm>> -> memref<128xf32, #tpu.memory_space<hbm>>
      %dma_start3A_88 = tpu.memref_slice %arg5[%add3A_82] : memref<327680xf32, #tpu.memory_space<hbm>> -> memref<128xf32, #tpu.memory_space<hbm>>
      tpu.enqueue_dma source(%dma_start3A_88 : memref<128xf32, #tpu.memory_space<hbm>>) target(%arg12 : memref<128xf32, #tpu.memory_space<vmem>>) target_semaphore(%arg18 : memref<!tpu.dma_semaphore, #tpu.memory_space<semaphore_mem>>)
      %scan3A_89 = arith.constant 0 : i32
      %scan3A_90 = arith.constant 0 : i32
      %scan3A_91 = arith.constant 64 : i32
      %scan3A_92 = arith.addi %scan3A_90, %scan3A_91 : i32
      %scan3A_93 = arith.constant 1 : i32
      scf.for %scan3A_140 = %scan3A_90 to %scan3A_92 step %scan3A_93  : i32 {
        %mul3A_141 = arith.constant 2 : i32
        %mul3A_142 = arith.muli %scan3A_140, %mul3A_141 : i32
        %add3A_143 = arith.constant 1 : i32
        %add3A_144 = arith.addi %mul3A_142, %add3A_143 : i32
        %broadcast_in_dim3A_145 = vector.broadcast %mul3A_142 : i32 to vector<16xi32>
        %gather3A = tpu.vector_load_idx %arg9[%broadcast_in_dim3A_145] : memref<128xf32, #tpu.memory_space<vmem>>[vector<16xi32>], vector<16xf32>,
        %broadcast_in_dim3A_146 = vector.broadcast %add3A_144 : i32 to vector<16xi32>
        %gather3A_147 = tpu.vector_load_idx %arg9[%broadcast_in_dim3A_146] : memref<128xf32, #tpu.memory_space<vmem>>[vector<16xi32>], vector<16xf32>,
        %get3A = arith.index_cast %mul3A_142 : i32 to index
        %get3A_148 = arith.constant 0 : index
        %get3A_149 = tpu.vector_load %arg13[%get3A, %get3A_148] {strides = array<i32>} : memref<128x128xf32, #tpu.memory_space<vmem>>, vector<16xf32>,
        %get3A_150 = arith.index_cast %mul3A_142 : i32 to index
        %get3A_151 = arith.constant 16 : index
        %get3A_152 = tpu.vector_load %arg13[%get3A_150, %get3A_151] {strides = array<i32>} : memref<128x128xf32, #tpu.memory_space<vmem>>, vector<16xf32>,
        %get3A_153 = arith.index_cast %mul3A_142 : i32 to index
        %get3A_154 = arith.constant 32 : index
        %get3A_155 = tpu.vector_load %arg13[%get3A_153, %get3A_154] {strides = array<i32>} : memref<128x128xf32, #tpu.memory_space<vmem>>, vector<16xf32>,
        %get3A_156 = arith.index_cast %mul3A_142 : i32 to index
        %get3A_157 = arith.constant 48 : index
        %get3A_158 = tpu.vector_load %arg13[%get3A_156, %get3A_157] {strides = array<i32>} : memref<128x128xf32, #tpu.memory_space<vmem>>, vector<16xf32>,
        %get3A_159 = arith.index_cast %mul3A_142 : i32 to index
        %get3A_160 = arith.constant 64 : index
        %get3A_161 = tpu.vector_load %arg13[%get3A_159, %get3A_160] {strides = array<i32>} : memref<128x128xf32, #tpu.memory_space<vmem>>, vector<16xf32>,
        %get3A_162 = arith.index_cast %mul3A_142 : i32 to index
        %get3A_163 = arith.constant 80 : index
        %get3A_164 = tpu.vector_load %arg13[%get3A_162, %get3A_163] {strides = array<i32>} : memref<128x128xf32, #tpu.memory_space<vmem>>, vector<16xf32>,
        %get3A_165 = arith.index_cast %mul3A_142 : i32 to index
        %get3A_166 = arith.constant 96 : index
        %get3A_167 = tpu.vector_load %arg13[%get3A_165, %get3A_166] {strides = array<i32>} : memref<128x128xf32, #tpu.memory_space<vmem>>, vector<16xf32>,
        %get3A_168 = arith.index_cast %mul3A_142 : i32 to index
        %get3A_169 = arith.constant 112 : index
        %get3A_170 = tpu.vector_load %arg13[%get3A_168, %get3A_169] {strides = array<i32>} : memref<128x128xf32, #tpu.memory_space<vmem>>, vector<16xf32>,
        %get3A_171 = arith.index_cast %add3A_144 : i32 to index
        %get3A_172 = arith.constant 0 : index
        %get3A_173 = tpu.vector_load %arg13[%get3A_171, %get3A_172] {strides = array<i32>} : memref<128x128xf32, #tpu.memory_space<vmem>>, vector<16xf32>,
        %get3A_174 = arith.index_cast %add3A_144 : i32 to index
        %get3A_175 = arith.constant 16 : index
        %get3A_176 = tpu.vector_load %arg13[%get3A_174, %get3A_175] {strides = array<i32>} : memref<128x128xf32, #tpu.memory_space<vmem>>, vector<16xf32>,
        %get3A_177 = arith.index_cast %add3A_144 : i32 to index
        %get3A_178 = arith.constant 32 : index
        %get3A_179 = tpu.vector_load %arg13[%get3A_177, %get3A_178] {strides = array<i32>} : memref<128x128xf32, #tpu.memory_space<vmem>>, vector<16xf32>,
        %get3A_180 = arith.index_cast %add3A_144 : i32 to index
        %get3A_181 = arith.constant 48 : index
        %get3A_182 = tpu.vector_load %arg13[%get3A_180, %get3A_181] {strides = array<i32>} : memref<128x128xf32, #tpu.memory_space<vmem>>, vector<16xf32>,
        %get3A_183 = arith.index_cast %add3A_144 : i32 to index
        %get3A_184 = arith.constant 64 : index
        %get3A_185 = tpu.vector_load %arg13[%get3A_183, %get3A_184] {strides = array<i32>} : memref<128x128xf32, #tpu.memory_space<vmem>>, vector<16xf32>,
        %get3A_186 = arith.index_cast %add3A_144 : i32 to index
        %get3A_187 = arith.constant 80 : index
        %get3A_188 = tpu.vector_load %arg13[%get3A_186, %get3A_187] {strides = array<i32>} : memref<128x128xf32, #tpu.memory_space<vmem>>, vector<16xf32>,
        %get3A_189 = arith.index_cast %add3A_144 : i32 to index
        %get3A_190 = arith.constant 96 : index
        %get3A_191 = tpu.vector_load %arg13[%get3A_189, %get3A_190] {strides = array<i32>} : memref<128x128xf32, #tpu.memory_space<vmem>>, vector<16xf32>,
        %get3A_192 = arith.index_cast %add3A_144 : i32 to index
        %get3A_193 = arith.constant 112 : index
        %get3A_194 = tpu.vector_load %arg13[%get3A_192, %get3A_193] {strides = array<i32>} : memref<128x128xf32, #tpu.memory_space<vmem>>, vector<16xf32>,
        %mul3A_195 = arith.mulf %get3A_149, %gather3A : vector<16xf32>
        %swap3A = arith.index_cast %mul3A_142 : i32 to index
        %swap3A_196 = arith.constant 0 : index
        %swap3A_197 = tpu.vector_load %arg13[%swap3A, %swap3A_196] {strides = array<i32>} : memref<128x128xf32, #tpu.memory_space<vmem>>, vector<16xf32>,
        tpu.vector_store %arg13[%swap3A, %swap3A_196], %mul3A_195 {strides = array<i32>} : memref<128x128xf32, #tpu.memory_space<vmem>>, vector<16xf32>,
        %mul3A_198 = arith.mulf %get3A_152, %gather3A : vector<16xf32>
        %swap3A_199 = arith.index_cast %mul3A_142 : i32 to index
        %swap3A_200 = arith.constant 16 : index
        %swap3A_201 = tpu.vector_load %arg13[%swap3A_199, %swap3A_200] {strides = array<i32>} : memref<128x128xf32, #tpu.memory_space<vmem>>, vector<16xf32>,
        tpu.vector_store %arg13[%swap3A_199, %swap3A_200], %mul3A_198 {strides = array<i32>} : memref<128x128xf32, #tpu.memory_space<vmem>>, vector<16xf32>,
        %mul3A_202 = arith.mulf %get3A_155, %gather3A : vector<16xf32>
        %swap3A_203 = arith.index_cast %mul3A_142 : i32 to index
        %swap3A_204 = arith.constant 32 : index
        %swap3A_205 = tpu.vector_load %arg13[%swap3A_203, %swap3A_204] {strides = array<i32>} : memref<128x128xf32, #tpu.memory_space<vmem>>, vector<16xf32>,
        tpu.vector_store %arg13[%swap3A_203, %swap3A_204], %mul3A_202 {strides = array<i32>} : memref<128x128xf32, #tpu.memory_space<vmem>>, vector<16xf32>,
        %mul3A_206 = arith.mulf %get3A_158, %gather3A : vector<16xf32>
        %swap3A_207 = arith.index_cast %mul3A_142 : i32 to index
        %swap3A_208 = arith.constant 48 : index
        %swap3A_209 = tpu.vector_load %arg13[%swap3A_207, %swap3A_208] {strides = array<i32>} : memref<128x128xf32, #tpu.memory_space<vmem>>, vector<16xf32>,
        tpu.vector_store %arg13[%swap3A_207, %swap3A_208], %mul3A_206 {strides = array<i32>} : memref<128x128xf32, #tpu.memory_space<vmem>>, vector<16xf32>,
        %mul3A_210 = arith.mulf %get3A_161, %gather3A : vector<16xf32>
        %swap3A_211 = arith.index_cast %mul3A_142 : i32 to index
        %swap3A_212 = arith.constant 64 : index
        %swap3A_213 = tpu.vector_load %arg13[%swap3A_211, %swap3A_212] {strides = array<i32>} : memref<128x128xf32, #tpu.memory_space<vmem>>, vector<16xf32>,
        tpu.vector_store %arg13[%swap3A_211, %swap3A_212], %mul3A_210 {strides = array<i32>} : memref<128x128xf32, #tpu.memory_space<vmem>>, vector<16xf32>,
        %mul3A_214 = arith.mulf %get3A_164, %gather3A : vector<16xf32>
        %swap3A_215 = arith.index_cast %mul3A_142 : i32 to index
        %swap3A_216 = arith.constant 80 : index
        %swap3A_217 = tpu.vector_load %arg13[%swap3A_215, %swap3A_216] {strides = array<i32>} : memref<128x128xf32, #tpu.memory_space<vmem>>, vector<16xf32>,
        tpu.vector_store %arg13[%swap3A_215, %swap3A_216], %mul3A_214 {strides = array<i32>} : memref<128x128xf32, #tpu.memory_space<vmem>>, vector<16xf32>,
        %mul3A_218 = arith.mulf %get3A_167, %gather3A : vector<16xf32>
        %swap3A_219 = arith.index_cast %mul3A_142 : i32 to index
        %swap3A_220 = arith.constant 96 : index
        %swap3A_221 = tpu.vector_load %arg13[%swap3A_219, %swap3A_220] {strides = array<i32>} : memref<128x128xf32, #tpu.memory_space<vmem>>, vector<16xf32>,
        tpu.vector_store %arg13[%swap3A_219, %swap3A_220], %mul3A_218 {strides = array<i32>} : memref<128x128xf32, #tpu.memory_space<vmem>>, vector<16xf32>,
        %mul3A_222 = arith.mulf %get3A_170, %gather3A : vector<16xf32>
        %swap3A_223 = arith.index_cast %mul3A_142 : i32 to index
        %swap3A_224 = arith.constant 112 : index
        %swap3A_225 = tpu.vector_load %arg13[%swap3A_223, %swap3A_224] {strides = array<i32>} : memref<128x128xf32, #tpu.memory_space<vmem>>, vector<16xf32>,
        tpu.vector_store %arg13[%swap3A_223, %swap3A_224], %mul3A_222 {strides = array<i32>} : memref<128x128xf32, #tpu.memory_space<vmem>>, vector<16xf32>,
        %mul3A_226 = arith.mulf %get3A_173, %gather3A_147 : vector<16xf32>
        %swap3A_227 = arith.index_cast %add3A_144 : i32 to index
        %swap3A_228 = arith.constant 0 : index
        %swap3A_229 = tpu.vector_load %arg13[%swap3A_227, %swap3A_228] {strides = array<i32>} : memref<128x128xf32, #tpu.memory_space<vmem>>, vector<16xf32>,
        tpu.vector_store %arg13[%swap3A_227, %swap3A_228], %mul3A_226 {strides = array<i32>} : memref<128x128xf32, #tpu.memory_space<vmem>>, vector<16xf32>,
        %mul3A_230 = arith.mulf %get3A_176, %gather3A_147 : vector<16xf32>
        %swap3A_231 = arith.index_cast %add3A_144 : i32 to index
        %swap3A_232 = arith.constant 16 : index
        %swap3A_233 = tpu.vector_load %arg13[%swap3A_231, %swap3A_232] {strides = array<i32>} : memref<128x128xf32, #tpu.memory_space<vmem>>, vector<16xf32>,
        tpu.vector_store %arg13[%swap3A_231, %swap3A_232], %mul3A_230 {strides = array<i32>} : memref<128x128xf32, #tpu.memory_space<vmem>>, vector<16xf32>,
        %mul3A_234 = arith.mulf %get3A_179, %gather3A_147 : vector<16xf32>
        %swap3A_235 = arith.index_cast %add3A_144 : i32 to index
        %swap3A_236 = arith.constant 32 : index
        %swap3A_237 = tpu.vector_load %arg13[%swap3A_235, %swap3A_236] {strides = array<i32>} : memref<128x128xf32, #tpu.memory_space<vmem>>, vector<16xf32>,
        tpu.vector_store %arg13[%swap3A_235, %swap3A_236], %mul3A_234 {strides = array<i32>} : memref<128x128xf32, #tpu.memory_space<vmem>>, vector<16xf32>,
        %mul3A_238 = arith.mulf %get3A_182, %gather3A_147 : vector<16xf32>
        %swap3A_239 = arith.index_cast %add3A_144 : i32 to index
        %swap3A_240 = arith.constant 48 : index
        %swap3A_241 = tpu.vector_load %arg13[%swap3A_239, %swap3A_240] {strides = array<i32>} : memref<128x128xf32, #tpu.memory_space<vmem>>, vector<16xf32>,
        tpu.vector_store %arg13[%swap3A_239, %swap3A_240], %mul3A_238 {strides = array<i32>} : memref<128x128xf32, #tpu.memory_space<vmem>>, vector<16xf32>,
        %mul3A_242 = arith.mulf %get3A_185, %gather3A_147 : vector<16xf32>
        %swap3A_243 = arith.index_cast %add3A_144 : i32 to index
        %swap3A_244 = arith.constant 64 : index
        %swap3A_245 = tpu.vector_load %arg13[%swap3A_243, %swap3A_244] {strides = array<i32>} : memref<128x128xf32, #tpu.memory_space<vmem>>, vector<16xf32>,
        tpu.vector_store %arg13[%swap3A_243, %swap3A_244], %mul3A_242 {strides = array<i32>} : memref<128x128xf32, #tpu.memory_space<vmem>>, vector<16xf32>,
        %mul3A_246 = arith.mulf %get3A_188, %gather3A_147 : vector<16xf32>
        %swap3A_247 = arith.index_cast %add3A_144 : i32 to index
        %swap3A_248 = arith.constant 80 : index
        %swap3A_249 = tpu.vector_load %arg13[%swap3A_247, %swap3A_248] {strides = array<i32>} : memref<128x128xf32, #tpu.memory_space<vmem>>, vector<16xf32>,
        tpu.vector_store %arg13[%swap3A_247, %swap3A_248], %mul3A_246 {strides = array<i32>} : memref<128x128xf32, #tpu.memory_space<vmem>>, vector<16xf32>,
        %mul3A_250 = arith.mulf %get3A_191, %gather3A_147 : vector<16xf32>
        %swap3A_251 = arith.index_cast %add3A_144 : i32 to index
        %swap3A_252 = arith.constant 96 : index
        %swap3A_253 = tpu.vector_load %arg13[%swap3A_251, %swap3A_252] {strides = array<i32>} : memref<128x128xf32, #tpu.memory_space<vmem>>, vector<16xf32>,
        tpu.vector_store %arg13[%swap3A_251, %swap3A_252], %mul3A_250 {strides = array<i32>} : memref<128x128xf32, #tpu.memory_space<vmem>>, vector<16xf32>,
        %mul3A_254 = arith.mulf %get3A_194, %gather3A_147 : vector<16xf32>
        %swap3A_255 = arith.index_cast %add3A_144 : i32 to index
        %swap3A_256 = arith.constant 112 : index
        %swap3A_257 = tpu.vector_load %arg13[%swap3A_255, %swap3A_256] {strides = array<i32>} : memref<128x128xf32, #tpu.memory_space<vmem>>, vector<16xf32>,
        tpu.vector_store %arg13[%swap3A_255, %swap3A_256], %mul3A_254 {strides = array<i32>} : memref<128x128xf32, #tpu.memory_space<vmem>>, vector<16xf32>,
      }
      %scan3A_94 = arith.constant 64 : i32
      %dma_start3A_95 = arith.constant 0 : i32
      %dma_start3A_96 = arith.constant 0 : i32
      %dma_start3A_97 = tpu.memref_slice %arg15[%dma_start3A_95, %dma_start3A_96] : memref<10112x128xf32, #tpu.memory_space<vmem_shared>> -> memref<10112x128xf32, #tpu.memory_space<vmem_shared>>
      tpu.enqueue_indirect_dma source(%arg13 : memref<128x128xf32, #tpu.memory_space<vmem>>) target(%dma_start3A_97 : memref<10112x128xf32, #tpu.memory_space<vmem_shared>>) offsets(%arg8 : memref<128xi32, #tpu.memory_space<vmem>>) semaphore(%arg19 : memref<!tpu.dma_semaphore, #tpu.memory_space<semaphore_mem>>) {add = true}
      %mul3A_98 = arith.constant 2 : i32
      %mul3A_99 = arith.muli %mul3A_98, %scan3A_55 : i32
      %add3A_100 = arith.constant 1 : i32
      %add3A_101 = arith.addi %mul3A_99, %add3A_100 : i32
      %ge3A_102 = arith.constant 1 : i32
      %ge3A_103 = arith.cmpi sge, %scan3A_55, %ge3A_102 : i32
      %convert_element_type3A_104 = arith.extui %ge3A_103 : i1 to i32
      %cond3A_105 = arith.constant 0 : i32
      %cond3A_106 = arith.cmpi ne, %convert_element_type3A_104, %cond3A_105 : i32
      scf.if %cond3A_106 {
        %dma_wait3A_140 = arith.constant 0 : i32
        %dma_wait3A_141 = arith.constant 0 : i32
        %dma_wait3A_142 = tpu.memref_slice %arg15[%dma_wait3A_140, %dma_wait3A_141] : memref<10112x128xf32, #tpu.memory_space<vmem_shared>> -> memref<10112x128xf32, #tpu.memory_space<vmem_shared>>
        tpu.wait_indirect_dma semaphore(%arg20 : memref<!tpu.dma_semaphore, #tpu.memory_space<semaphore_mem>>) src(%arg14 : memref<128x128xf32, #tpu.memory_space<vmem>>) dst(%dma_wait3A_142 : memref<10112x128xf32, #tpu.memory_space<vmem_shared>>)
      } else {
      }
      %dma_wait3A_107 = arith.constant 0 : i32
      %dma_wait3A_108 = tpu.memref_slice %arg3[%dma_wait3A_107] : memref<327680xi32, #tpu.memory_space<hbm>> -> memref<128xi32, #tpu.memory_space<hbm>>
      %dma_wait3A_109 = arith.constant 0 : i32
      %dma_wait3A_110 = tpu.memref_slice %arg3[%dma_wait3A_109] : memref<327680xi32, #tpu.memory_space<hbm>> -> memref<128xi32, #tpu.memory_space<hbm>>
      tpu.wait_dma2 semaphore(%arg18 : memref<!tpu.dma_semaphore, #tpu.memory_space<semaphore_mem>>) src(%dma_wait3A_110 : memref<128xi32, #tpu.memory_space<hbm>>) dst(%arg10 : memref<128xi32, #tpu.memory_space<vmem>>)
      %dma_wait3A_111 = arith.constant 0 : i32
      %dma_wait3A_112 = tpu.memref_slice %arg3[%dma_wait3A_111] : memref<327680xi32, #tpu.memory_space<hbm>> -> memref<128xi32, #tpu.memory_space<hbm>>
      %dma_wait3A_113 = arith.constant 0 : i32
      %dma_wait3A_114 = tpu.memref_slice %arg3[%dma_wait3A_113] : memref<327680xi32, #tpu.memory_space<hbm>> -> memref<128xi32, #tpu.memory_space<hbm>>
      tpu.wait_dma2 semaphore(%arg18 : memref<!tpu.dma_semaphore, #tpu.memory_space<semaphore_mem>>) src(%dma_wait3A_114 : memref<128xi32, #tpu.memory_space<hbm>>) dst(%arg11 : memref<128xi32, #tpu.memory_space<vmem>>)
      %dma_wait3A_115 = arith.constant 0 : i32
      %dma_wait3A_116 = tpu.memref_slice %arg3[%dma_wait3A_115] : memref<327680xi32, #tpu.memory_space<hbm>> -> memref<128xi32, #tpu.memory_space<hbm>>
      %dma_wait3A_117 = arith.constant 0 : i32
      %dma_wait3A_118 = tpu.memref_slice %arg3[%dma_wait3A_117] : memref<327680xi32, #tpu.memory_space<hbm>> -> memref<128xi32, #tpu.memory_space<hbm>>
      tpu.wait_dma2 semaphore(%arg18 : memref<!tpu.dma_semaphore, #tpu.memory_space<semaphore_mem>>) src(%dma_wait3A_118 : memref<128xi32, #tpu.memory_space<hbm>>) dst(%arg12 : memref<128xf32, #tpu.memory_space<vmem>>)
      %dma_start3A_119 = arith.constant 0 : i32
      %dma_start3A_120 = arith.constant 0 : i32
      %dma_start3A_121 = tpu.memref_slice %arg2[%dma_start3A_119, %dma_start3A_120] : memref<10000x128xf32, #tpu.memory_space<hbm>> -> memref<10000x128xf32, #tpu.memory_space<hbm>>
      tpu.enqueue_indirect_dma source(%dma_start3A_121 : memref<10000x128xf32, #tpu.memory_space<hbm>>) target(%arg14 : memref<128x128xf32, #tpu.memory_space<vmem>>) offsets(%arg10 : memref<128xi32, #tpu.memory_space<vmem>>) semaphore(%arg16 : memref<!tpu.dma_semaphore, #tpu.memory_space<semaphore_mem>>)
      %dma_wait3A_122 = arith.constant 0 : i32
      %dma_wait3A_123 = arith.constant 0 : i32
      %dma_wait3A_124 = tpu.memref_slice %arg2[%dma_wait3A_122, %dma_wait3A_123] : memref<10000x128xf32, #tpu.memory_space<hbm>> -> memref<10000x128xf32, #tpu.memory_space<hbm>>
      tpu.wait_indirect_dma semaphore(%arg16 : memref<!tpu.dma_semaphore, #tpu.memory_space<semaphore_mem>>) src(%dma_wait3A_124 : memref<10000x128xf32, #tpu.memory_space<hbm>>) dst(%arg14 : memref<128x128xf32, #tpu.memory_space<vmem>>)
      %add3A_125 = arith.constant 1 : i32
      %add3A_126 = arith.addi %add3A_101, %add3A_125 : i32
      %lt3A = arith.constant 80 : i32
      %lt3A_127 = arith.cmpi slt, %add3A_126, %lt3A : i32
      %convert_element_type3A_128 = arith.extui %lt3A_127 : i1 to i32
      %cond3A_129 = arith.constant 0 : i32
      %cond3A_130 = arith.cmpi ne, %convert_element_type3A_128, %cond3A_129 : i32
      scf.if %cond3A_130 {
        %add3A_140 = arith.constant 1 : i32
        %add3A_141 = arith.addi %add3A_101, %add3A_140 : i32
        %mul3A_142 = arith.constant 128 : i32
        %mul3A_143 = arith.muli %add3A_141, %mul3A_142 : i32
        %add3A_144 = arith.addi %mul3A_28, %mul3A_143 : i32
        %dma_start3A_145 = tpu.memref_slice %arg3[%add3A_144] : memref<327680xi32, #tpu.memory_space<hbm>> -> memref<128xi32, #tpu.memory_space<hbm>>
        %dma_start3A_146 = tpu.memref_slice %arg3[%add3A_144] : memref<327680xi32, #tpu.memory_space<hbm>> -> memref<128xi32, #tpu.memory_space<hbm>>
        tpu.enqueue_dma source(%dma_start3A_146 : memref<128xi32, #tpu.memory_space<hbm>>) target(%arg7 : memref<128xi32, #tpu.memory_space<vmem>>) target_semaphore(%arg17 : memref<!tpu.dma_semaphore, #tpu.memory_space<semaphore_mem>>)
        %dma_start3A_147 = tpu.memref_slice %arg4[%add3A_144] : memref<327680xi32, #tpu.memory_space<hbm>> -> memref<128xi32, #tpu.memory_space<hbm>>
        %dma_start3A_148 = tpu.memref_slice %arg4[%add3A_144] : memref<327680xi32, #tpu.memory_space<hbm>> -> memref<128xi32, #tpu.memory_space<hbm>>
        tpu.enqueue_dma source(%dma_start3A_148 : memref<128xi32, #tpu.memory_space<hbm>>) target(%arg8 : memref<128xi32, #tpu.memory_space<vmem>>) target_semaphore(%arg17 : memref<!tpu.dma_semaphore, #tpu.memory_space<semaphore_mem>>)
        %dma_start3A_149 = tpu.memref_slice %arg5[%add3A_144] : memref<327680xf32, #tpu.memory_space<hbm>> -> memref<128xf32, #tpu.memory_space<hbm>>
        %dma_start3A_150 = tpu.memref_slice %arg5[%add3A_144] : memref<327680xf32, #tpu.memory_space<hbm>> -> memref<128xf32, #tpu.memory_space<hbm>>
        tpu.enqueue_dma source(%dma_start3A_150 : memref<128xf32, #tpu.memory_space<hbm>>) target(%arg9 : memref<128xf32, #tpu.memory_space<vmem>>) target_semaphore(%arg17 : memref<!tpu.dma_semaphore, #tpu.memory_space<semaphore_mem>>)
      } else {
      }
      %scan3A_131 = arith.constant 0 : i32
      %scan3A_132 = arith.constant 0 : i32
      %scan3A_133 = arith.constant 64 : i32
      %scan3A_134 = arith.addi %scan3A_132, %scan3A_133 : i32
      %scan3A_135 = arith.constant 1 : i32
      scf.for %scan3A_140 = %scan3A_132 to %scan3A_134 step %scan3A_135  : i32 {
        %mul3A_141 = arith.constant 2 : i32
        %mul3A_142 = arith.muli %scan3A_140, %mul3A_141 : i32
        %add3A_143 = arith.constant 1 : i32
        %add3A_144 = arith.addi %mul3A_142, %add3A_143 : i32
        %broadcast_in_dim3A_145 = vector.broadcast %mul3A_142 : i32 to vector<16xi32>
        %gather3A = tpu.vector_load_idx %arg12[%broadcast_in_dim3A_145] : memref<128xf32, #tpu.memory_space<vmem>>[vector<16xi32>], vector<16xf32>,
        %broadcast_in_dim3A_146 = vector.broadcast %add3A_144 : i32 to vector<16xi32>
        %gather3A_147 = tpu.vector_load_idx %arg12[%broadcast_in_dim3A_146] : memref<128xf32, #tpu.memory_space<vmem>>[vector<16xi32>], vector<16xf32>,
        %get3A = arith.index_cast %mul3A_142 : i32 to index
        %get3A_148 = arith.constant 0 : index
        %get3A_149 = tpu.vector_load %arg14[%get3A, %get3A_148] {strides = array<i32>} : memref<128x128xf32, #tpu.memory_space<vmem>>, vector<16xf32>,
        %get3A_150 = arith.index_cast %mul3A_142 : i32 to index
        %get3A_151 = arith.constant 16 : index
        %get3A_152 = tpu.vector_load %arg14[%get3A_150, %get3A_151] {strides = array<i32>} : memref<128x128xf32, #tpu.memory_space<vmem>>, vector<16xf32>,
        %get3A_153 = arith.index_cast %mul3A_142 : i32 to index
        %get3A_154 = arith.constant 32 : index
        %get3A_155 = tpu.vector_load %arg14[%get3A_153, %get3A_154] {strides = array<i32>} : memref<128x128xf32, #tpu.memory_space<vmem>>, vector<16xf32>,
        %get3A_156 = arith.index_cast %mul3A_142 : i32 to index
        %get3A_157 = arith.constant 48 : index
        %get3A_158 = tpu.vector_load %arg14[%get3A_156, %get3A_157] {strides = array<i32>} : memref<128x128xf32, #tpu.memory_space<vmem>>, vector<16xf32>,
        %get3A_159 = arith.index_cast %mul3A_142 : i32 to index
        %get3A_160 = arith.constant 64 : index
        %get3A_161 = tpu.vector_load %arg14[%get3A_159, %get3A_160] {strides = array<i32>} : memref<128x128xf32, #tpu.memory_space<vmem>>, vector<16xf32>,
        %get3A_162 = arith.index_cast %mul3A_142 : i32 to index
        %get3A_163 = arith.constant 80 : index
        %get3A_164 = tpu.vector_load %arg14[%get3A_162, %get3A_163] {strides = array<i32>} : memref<128x128xf32, #tpu.memory_space<vmem>>, vector<16xf32>,
        %get3A_165 = arith.index_cast %mul3A_142 : i32 to index
        %get3A_166 = arith.constant 96 : index
        %get3A_167 = tpu.vector_load %arg14[%get3A_165, %get3A_166] {strides = array<i32>} : memref<128x128xf32, #tpu.memory_space<vmem>>, vector<16xf32>,
        %get3A_168 = arith.index_cast %mul3A_142 : i32 to index
        %get3A_169 = arith.constant 112 : index
        %get3A_170 = tpu.vector_load %arg14[%get3A_168, %get3A_169] {strides = array<i32>} : memref<128x128xf32, #tpu.memory_space<vmem>>, vector<16xf32>,
        %get3A_171 = arith.index_cast %add3A_144 : i32 to index
        %get3A_172 = arith.constant 0 : index
        %get3A_173 = tpu.vector_load %arg14[%get3A_171, %get3A_172] {strides = array<i32>} : memref<128x128xf32, #tpu.memory_space<vmem>>, vector<16xf32>,
        %get3A_174 = arith.index_cast %add3A_144 : i32 to index
        %get3A_175 = arith.constant 16 : index
        %get3A_176 = tpu.vector_load %arg14[%get3A_174, %get3A_175] {strides = array<i32>} : memref<128x128xf32, #tpu.memory_space<vmem>>, vector<16xf32>,
        %get3A_177 = arith.index_cast %add3A_144 : i32 to index
        %get3A_178 = arith.constant 32 : index
        %get3A_179 = tpu.vector_load %arg14[%get3A_177, %get3A_178] {strides = array<i32>} : memref<128x128xf32, #tpu.memory_space<vmem>>, vector<16xf32>,
        %get3A_180 = arith.index_cast %add3A_144 : i32 to index
        %get3A_181 = arith.constant 48 : index
        %get3A_182 = tpu.vector_load %arg14[%get3A_180, %get3A_181] {strides = array<i32>} : memref<128x128xf32, #tpu.memory_space<vmem>>, vector<16xf32>,
        %get3A_183 = arith.index_cast %add3A_144 : i32 to index
        %get3A_184 = arith.constant 64 : index
        %get3A_185 = tpu.vector_load %arg14[%get3A_183, %get3A_184] {strides = array<i32>} : memref<128x128xf32, #tpu.memory_space<vmem>>, vector<16xf32>,
        %get3A_186 = arith.index_cast %add3A_144 : i32 to index
        %get3A_187 = arith.constant 80 : index
        %get3A_188 = tpu.vector_load %arg14[%get3A_186, %get3A_187] {strides = array<i32>} : memref<128x128xf32, #tpu.memory_space<vmem>>, vector<16xf32>,
        %get3A_189 = arith.index_cast %add3A_144 : i32 to index
        %get3A_190 = arith.constant 96 : index
        %get3A_191 = tpu.vector_load %arg14[%get3A_189, %get3A_190] {strides = array<i32>} : memref<128x128xf32, #tpu.memory_space<vmem>>, vector<16xf32>,
        %get3A_192 = arith.index_cast %add3A_144 : i32 to index
        %get3A_193 = arith.constant 112 : index
        %get3A_194 = tpu.vector_load %arg14[%get3A_192, %get3A_193] {strides = array<i32>} : memref<128x128xf32, #tpu.memory_space<vmem>>, vector<16xf32>,
        %mul3A_195 = arith.mulf %get3A_149, %gather3A : vector<16xf32>
        %swap3A = arith.index_cast %mul3A_142 : i32 to index
        %swap3A_196 = arith.constant 0 : index
        %swap3A_197 = tpu.vector_load %arg14[%swap3A, %swap3A_196] {strides = array<i32>} : memref<128x128xf32, #tpu.memory_space<vmem>>, vector<16xf32>,
        tpu.vector_store %arg14[%swap3A, %swap3A_196], %mul3A_195 {strides = array<i32>} : memref<128x128xf32, #tpu.memory_space<vmem>>, vector<16xf32>,
        %mul3A_198 = arith.mulf %get3A_152, %gather3A : vector<16xf32>
        %swap3A_199 = arith.index_cast %mul3A_142 : i32 to index
        %swap3A_200 = arith.constant 16 : index
        %swap3A_201 = tpu.vector_load %arg14[%swap3A_199, %swap3A_200] {strides = array<i32>} : memref<128x128xf32, #tpu.memory_space<vmem>>, vector<16xf32>,
        tpu.vector_store %arg14[%swap3A_199, %swap3A_200], %mul3A_198 {strides = array<i32>} : memref<128x128xf32, #tpu.memory_space<vmem>>, vector<16xf32>,
        %mul3A_202 = arith.mulf %get3A_155, %gather3A : vector<16xf32>
        %swap3A_203 = arith.index_cast %mul3A_142 : i32 to index
        %swap3A_204 = arith.constant 32 : index
        %swap3A_205 = tpu.vector_load %arg14[%swap3A_203, %swap3A_204] {strides = array<i32>} : memref<128x128xf32, #tpu.memory_space<vmem>>, vector<16xf32>,
        tpu.vector_store %arg14[%swap3A_203, %swap3A_204], %mul3A_202 {strides = array<i32>} : memref<128x128xf32, #tpu.memory_space<vmem>>, vector<16xf32>,
        %mul3A_206 = arith.mulf %get3A_158, %gather3A : vector<16xf32>
        %swap3A_207 = arith.index_cast %mul3A_142 : i32 to index
        %swap3A_208 = arith.constant 48 : index
        %swap3A_209 = tpu.vector_load %arg14[%swap3A_207, %swap3A_208] {strides = array<i32>} : memref<128x128xf32, #tpu.memory_space<vmem>>, vector<16xf32>,
        tpu.vector_store %arg14[%swap3A_207, %swap3A_208], %mul3A_206 {strides = array<i32>} : memref<128x128xf32, #tpu.memory_space<vmem>>, vector<16xf32>,
        %mul3A_210 = arith.mulf %get3A_161, %gather3A : vector<16xf32>
        %swap3A_211 = arith.index_cast %mul3A_142 : i32 to index
        %swap3A_212 = arith.constant 64 : index
        %swap3A_213 = tpu.vector_load %arg14[%swap3A_211, %swap3A_212] {strides = array<i32>} : memref<128x128xf32, #tpu.memory_space<vmem>>, vector<16xf32>,
        tpu.vector_store %arg14[%swap3A_211, %swap3A_212], %mul3A_210 {strides = array<i32>} : memref<128x128xf32, #tpu.memory_space<vmem>>, vector<16xf32>,
        %mul3A_214 = arith.mulf %get3A_164, %gather3A : vector<16xf32>
        %swap3A_215 = arith.index_cast %mul3A_142 : i32 to index
        %swap3A_216 = arith.constant 80 : index
        %swap3A_217 = tpu.vector_load %arg14[%swap3A_215, %swap3A_216] {strides = array<i32>} : memref<128x128xf32, #tpu.memory_space<vmem>>, vector<16xf32>,
        tpu.vector_store %arg14[%swap3A_215, %swap3A_216], %mul3A_214 {strides = array<i32>} : memref<128x128xf32, #tpu.memory_space<vmem>>, vector<16xf32>,
        %mul3A_218 = arith.mulf %get3A_167, %gather3A : vector<16xf32>
        %swap3A_219 = arith.index_cast %mul3A_142 : i32 to index
        %swap3A_220 = arith.constant 96 : index
        %swap3A_221 = tpu.vector_load %arg14[%swap3A_219, %swap3A_220] {strides = array<i32>} : memref<128x128xf32, #tpu.memory_space<vmem>>, vector<16xf32>,
        tpu.vector_store %arg14[%swap3A_219, %swap3A_220], %mul3A_218 {strides = array<i32>} : memref<128x128xf32, #tpu.memory_space<vmem>>, vector<16xf32>,
        %mul3A_222 = arith.mulf %get3A_170, %gather3A : vector<16xf32>
        %swap3A_223 = arith.index_cast %mul3A_142 : i32 to index
        %swap3A_224 = arith.constant 112 : index
        %swap3A_225 = tpu.vector_load %arg14[%swap3A_223, %swap3A_224] {strides = array<i32>} : memref<128x128xf32, #tpu.memory_space<vmem>>, vector<16xf32>,
        tpu.vector_store %arg14[%swap3A_223, %swap3A_224], %mul3A_222 {strides = array<i32>} : memref<128x128xf32, #tpu.memory_space<vmem>>, vector<16xf32>,
        %mul3A_226 = arith.mulf %get3A_173, %gather3A_147 : vector<16xf32>
        %swap3A_227 = arith.index_cast %add3A_144 : i32 to index
        %swap3A_228 = arith.constant 0 : index
        %swap3A_229 = tpu.vector_load %arg14[%swap3A_227, %swap3A_228] {strides = array<i32>} : memref<128x128xf32, #tpu.memory_space<vmem>>, vector<16xf32>,
        tpu.vector_store %arg14[%swap3A_227, %swap3A_228], %mul3A_226 {strides = array<i32>} : memref<128x128xf32, #tpu.memory_space<vmem>>, vector<16xf32>,
        %mul3A_230 = arith.mulf %get3A_176, %gather3A_147 : vector<16xf32>
        %swap3A_231 = arith.index_cast %add3A_144 : i32 to index
        %swap3A_232 = arith.constant 16 : index
        %swap3A_233 = tpu.vector_load %arg14[%swap3A_231, %swap3A_232] {strides = array<i32>} : memref<128x128xf32, #tpu.memory_space<vmem>>, vector<16xf32>,
        tpu.vector_store %arg14[%swap3A_231, %swap3A_232], %mul3A_230 {strides = array<i32>} : memref<128x128xf32, #tpu.memory_space<vmem>>, vector<16xf32>,
        %mul3A_234 = arith.mulf %get3A_179, %gather3A_147 : vector<16xf32>
        %swap3A_235 = arith.index_cast %add3A_144 : i32 to index
        %swap3A_236 = arith.constant 32 : index
        %swap3A_237 = tpu.vector_load %arg14[%swap3A_235, %swap3A_236] {strides = array<i32>} : memref<128x128xf32, #tpu.memory_space<vmem>>, vector<16xf32>,
        tpu.vector_store %arg14[%swap3A_235, %swap3A_236], %mul3A_234 {strides = array<i32>} : memref<128x128xf32, #tpu.memory_space<vmem>>, vector<16xf32>,
        %mul3A_238 = arith.mulf %get3A_182, %gather3A_147 : vector<16xf32>
        %swap3A_239 = arith.index_cast %add3A_144 : i32 to index
        %swap3A_240 = arith.constant 48 : index
        %swap3A_241 = tpu.vector_load %arg14[%swap3A_239, %swap3A_240] {strides = array<i32>} : memref<128x128xf32, #tpu.memory_space<vmem>>, vector<16xf32>,
        tpu.vector_store %arg14[%swap3A_239, %swap3A_240], %mul3A_238 {strides = array<i32>} : memref<128x128xf32, #tpu.memory_space<vmem>>, vector<16xf32>,
        %mul3A_242 = arith.mulf %get3A_185, %gather3A_147 : vector<16xf32>
        %swap3A_243 = arith.index_cast %add3A_144 : i32 to index
        %swap3A_244 = arith.constant 64 : index
        %swap3A_245 = tpu.vector_load %arg14[%swap3A_243, %swap3A_244] {strides = array<i32>} : memref<128x128xf32, #tpu.memory_space<vmem>>, vector<16xf32>,
        tpu.vector_store %arg14[%swap3A_243, %swap3A_244], %mul3A_242 {strides = array<i32>} : memref<128x128xf32, #tpu.memory_space<vmem>>, vector<16xf32>,
        %mul3A_246 = arith.mulf %get3A_188, %gather3A_147 : vector<16xf32>
        %swap3A_247 = arith.index_cast %add3A_144 : i32 to index
        %swap3A_248 = arith.constant 80 : index
        %swap3A_249 = tpu.vector_load %arg14[%swap3A_247, %swap3A_248] {strides = array<i32>} : memref<128x128xf32, #tpu.memory_space<vmem>>, vector<16xf32>,
        tpu.vector_store %arg14[%swap3A_247, %swap3A_248], %mul3A_246 {strides = array<i32>} : memref<128x128xf32, #tpu.memory_space<vmem>>, vector<16xf32>,
        %mul3A_250 = arith.mulf %get3A_191, %gather3A_147 : vector<16xf32>
        %swap3A_251 = arith.index_cast %add3A_144 : i32 to index
        %swap3A_252 = arith.constant 96 : index
        %swap3A_253 = tpu.vector_load %arg14[%swap3A_251, %swap3A_252] {strides = array<i32>} : memref<128x128xf32, #tpu.memory_space<vmem>>, vector<16xf32>,
        tpu.vector_store %arg14[%swap3A_251, %swap3A_252], %mul3A_250 {strides = array<i32>} : memref<128x128xf32, #tpu.memory_space<vmem>>, vector<16xf32>,
        %mul3A_254 = arith.mulf %get3A_194, %gather3A_147 : vector<16xf32>
        %swap3A_255 = arith.index_cast %add3A_144 : i32 to index
        %swap3A_256 = arith.constant 112 : index
        %swap3A_257 = tpu.vector_load %arg14[%swap3A_255, %swap3A_256] {strides = array<i32>} : memref<128x128xf32, #tpu.memory_space<vmem>>, vector<16xf32>,
        tpu.vector_store %arg14[%swap3A_255, %swap3A_256], %mul3A_254 {strides = array<i32>} : memref<128x128xf32, #tpu.memory_space<vmem>>, vector<16xf32>,
      }
      %scan3A_136 = arith.constant 64 : i32
      %dma_start3A_137 = arith.constant 0 : i32
      %dma_start3A_138 = arith.constant 0 : i32
      %dma_start3A_139 = tpu.memref_slice %arg15[%dma_start3A_137, %dma_start3A_138] : memref<10112x128xf32, #tpu.memory_space<vmem_shared>> -> memref<10112x128xf32, #tpu.memory_space<vmem_shared>>
      tpu.enqueue_indirect_dma source(%arg14 : memref<128x128xf32, #tpu.memory_space<vmem>>) target(%dma_start3A_139 : memref<10112x128xf32, #tpu.memory_space<vmem_shared>>) offsets(%arg11 : memref<128xi32, #tpu.memory_space<vmem>>) semaphore(%arg20 : memref<!tpu.dma_semaphore, #tpu.memory_space<semaphore_mem>>) {add = true}
    }
    %scan3A_41 = arith.constant 40 : i32
    %dma_wait3A = arith.constant 0 : i32
    %dma_wait3A_42 = arith.constant 0 : i32
    %dma_wait3A_43 = tpu.memref_slice %arg15[%dma_wait3A, %dma_wait3A_42] : memref<10112x128xf32, #tpu.memory_space<vmem_shared>> -> memref<10112x128xf32, #tpu.memory_space<vmem_shared>>
    tpu.wait_indirect_dma semaphore(%arg19 : memref<!tpu.dma_semaphore, #tpu.memory_space<semaphore_mem>>) src(%arg13 : memref<128x128xf32, #tpu.memory_space<vmem>>) dst(%dma_wait3A_43 : memref<10112x128xf32, #tpu.memory_space<vmem_shared>>)
    %dma_wait3A_44 = arith.constant 0 : i32
    %dma_wait3A_45 = arith.constant 0 : i32
    %dma_wait3A_46 = tpu.memref_slice %arg15[%dma_wait3A_44, %dma_wait3A_45] : memref<10112x128xf32, #tpu.memory_space<vmem_shared>> -> memref<10112x128xf32, #tpu.memory_space<vmem_shared>>
    tpu.wait_indirect_dma semaphore(%arg20 : memref<!tpu.dma_semaphore, #tpu.memory_space<semaphore_mem>>) src(%arg14 : memref<128x128xf32, #tpu.memory_space<vmem>>) dst(%dma_wait3A_46 : memref<10112x128xf32, #tpu.memory_space<vmem_shared>>)
    %barrier3A_47 = arith.constant 0 : index
    tpu.barrier barrier_id(%barrier3A_47)
    %mul3A_48 = arith.constant 632 : i32
    %mul3A_49 = arith.muli %arg1, %mul3A_48 : i32
    %mul3A_50 = arith.constant 10112 : i32
    %mul3A_51 = arith.muli %arg0, %mul3A_50 : i32
    %mul3A_52 = arith.constant 632 : i32
    %mul3A_53 = arith.muli %arg1, %mul3A_52 : i32
    %add3A_54 = arith.addi %mul3A_51, %mul3A_53 : i32
    "tpu.region"() ({
      %run_scoped3A = tpu.sem_alloc : memref<!tpu.dma_semaphore, #tpu.memory_space<semaphore_mem>>
      %dma_start3A_55 = arith.constant 0 : i32
      %dma_start3A_56 = tpu.memref_slice %arg6[%add3A_54, %dma_start3A_55] : memref<20224x128xf32, #tpu.memory_space<hbm>> -> memref<632x128xf32, #tpu.memory_space<hbm>>
      %dma_start3A_57 = arith.constant 0 : i32
      %dma_start3A_58 = tpu.memref_slice %arg15[%mul3A_49, %dma_start3A_57] : memref<10112x128xf32, #tpu.memory_space<vmem_shared>> -> memref<632x128xf32, #tpu.memory_space<vmem_shared>>
      tpu.enqueue_dma source(%dma_start3A_58 : memref<632x128xf32, #tpu.memory_space<vmem_shared>>) target(%dma_start3A_56 : memref<632x128xf32, #tpu.memory_space<hbm>>) target_semaphore(%run_scoped3A : memref<!tpu.dma_semaphore, #tpu.memory_space<semaphore_mem>>)
      %dma_wait3A_59 = arith.constant 0 : i32
      %dma_wait3A_60 = tpu.memref_slice %arg6[%add3A_54, %dma_wait3A_59] : memref<20224x128xf32, #tpu.memory_space<hbm>> -> memref<632x128xf32, #tpu.memory_space<hbm>>
      %dma_wait3A_61 = arith.constant 0 : i32
      %dma_wait3A_62 = tpu.memref_slice %arg15[%mul3A_49, %dma_wait3A_61] : memref<10112x128xf32, #tpu.memory_space<vmem_shared>> -> memref<632x128xf32, #tpu.memory_space<vmem_shared>>
      tpu.wait_dma2 semaphore(%run_scoped3A : memref<!tpu.dma_semaphore, #tpu.memory_space<semaphore_mem>>) src(%dma_wait3A_62 : memref<632x128xf32, #tpu.memory_space<vmem_shared>>) dst(%dma_wait3A_60 : memref<632x128xf32, #tpu.memory_space<hbm>>)
      tpu.yield
    }) : () -> ()
    return
  }
}

module attributes {stable_mosaic.version = 14 : i64} {
  func.func @body(%arg0: i32, %arg1: memref<1000x128xf32, #tpu.memory_space<vmem>>, %arg2: memref<1000x128xf32, #tpu.memory_space<vmem>>, %arg3: memref<1000x128xf32, #tpu.memory_space<vmem>>, %arg4: memref<128x128xf32, #tpu.memory_space<vmem>>, %arg5: memref<128x128xf32, #tpu.memory_space<vmem>>, %arg6: memref<1000x128xf32, #tpu.memory_space<vmem>>, %arg7: memref<1000x128xf32, #tpu.memory_space<vmem>>) attributes {dimension_semantics = [#tpu.dimension_semantics<arbitrary>], iteration_bounds = array<i64: 10>, scalar_prefetch = 0 : i64, scratch_operands = 0 : i64, tpu.core_type = #tpu.core_type<tc>, window_params = [{transform_indices = @transform_0, window_bounds = array<i64: 1000, 128>}, {transform_indices = @transform_1, window_bounds = array<i64: 1000, 128>}, {transform_indices = @transform_2, window_bounds = array<i64: 1000, 128>}, {pipeline_mode = #tpu.pipeline_mode<synchronous>, transform_indices = @transform_3, window_bounds = array<i64: 128, 128>}, {pipeline_mode = #tpu.pipeline_mode<synchronous>, transform_indices = @transform_4, window_bounds = array<i64: 128, 128>}, {transform_indices = @transform_5, window_bounds = array<i64: 1000, 128>}, {transform_indices = @transform_6, window_bounds = array<i64: 1000, 128>}]} {
    %get3A = arith.constant 0 : index
    %get3A_0 = arith.constant 0 : index
    %get3A_1 = vector.load %arg2[%get3A, %get3A_0] : memref<1000x128xf32, #tpu.memory_space<vmem>>, vector<1000x128xf32>
    %get3A_2 = arith.constant 0 : index
    %get3A_3 = arith.constant 0 : index
    %get3A_4 = vector.load %arg3[%get3A_2, %get3A_3] : memref<1000x128xf32, #tpu.memory_space<vmem>>, vector<1000x128xf32>
    %add3A = arith.addf %get3A_1, %get3A_4 : vector<1000x128xf32>
    %mul3A = arith.constant 9.99999974E-5 : f32
    %mul3A_5 = vector.broadcast %mul3A : f32 to vector<1000x128xf32>
    %mul3A_6 = arith.mulf %add3A, %mul3A_5 : vector<1000x128xf32>
    %swap3A = arith.constant 0 : index
    %swap3A_7 = arith.constant 0 : index
    %swap3A_8 = vector.load %arg6[%swap3A, %swap3A_7] : memref<1000x128xf32, #tpu.memory_space<vmem>>, vector<1000x128xf32>
    tpu.vector_store %arg6[%swap3A, %swap3A_7], %mul3A_6 {strides = array<i32>} : memref<1000x128xf32, #tpu.memory_space<vmem>>, vector<1000x128xf32>,
    %get3A_9 = arith.constant 0 : index
    %get3A_10 = arith.constant 0 : index
    %get3A_11 = vector.load %arg1[%get3A_9, %get3A_10] : memref<1000x128xf32, #tpu.memory_space<vmem>>, vector<1000x128xf32>
    %get3A_12 = arith.constant 0 : index
    %get3A_13 = arith.constant 0 : index
    %get3A_14 = vector.load %arg4[%get3A_12, %get3A_13] : memref<128x128xf32, #tpu.memory_space<vmem>>, vector<128x128xf32>
    %dot_general3A = arith.constant dense<0.000000e+00> : vector<1000x128xf32>
    %dot_general3A_15 = tpu.matmul %get3A_11, %get3A_14, %dot_general3A {dimension_numbers = #tpu.dot_dimension_numbers<[1], [0], [0], [1], [0, 0, 1, 1], [], []>, transpose_lhs_hint = false} : vector<1000x128xf32>, vector<128x128xf32>, vector<1000x128xf32> -> vector<1000x128xf32>
    %get3A_16 = arith.constant 0 : index
    %get3A_17 = arith.constant 0 : index
    %get3A_18 = vector.load %arg5[%get3A_16, %get3A_17] : memref<128x128xf32, #tpu.memory_space<vmem>>, vector<128x128xf32>
    %dot_general3A_19 = arith.constant dense<0.000000e+00> : vector<1000x128xf32>
    %dot_general3A_20 = tpu.matmul %mul3A_6, %get3A_18, %dot_general3A_19 {dimension_numbers = #tpu.dot_dimension_numbers<[1], [0], [0], [1], [0, 0, 1, 1], [], []>, transpose_lhs_hint = false} : vector<1000x128xf32>, vector<128x128xf32>, vector<1000x128xf32> -> vector<1000x128xf32>
    %add3A_21 = arith.addf %dot_general3A_15, %dot_general3A_20 : vector<1000x128xf32>
    %swap3A_22 = arith.constant 0 : index
    %swap3A_23 = arith.constant 0 : index
    %swap3A_24 = vector.load %arg7[%swap3A_22, %swap3A_23] : memref<1000x128xf32, #tpu.memory_space<vmem>>, vector<1000x128xf32>
    tpu.vector_store %arg7[%swap3A_22, %swap3A_23], %add3A_21 {strides = array<i32>} : memref<1000x128xf32, #tpu.memory_space<vmem>>, vector<1000x128xf32>,
    return
  }
  func.func @transform_0(%arg0: i32) -> (i32, i32) {
    %c0_i32 = arith.constant 0 : i32
    %c0_i32_0 = arith.constant 0 : i32
    return %arg0, %c0_i32 : i32, i32
  }
  func.func @transform_1(%arg0: i32) -> (i32, i32) {
    %c0_i32 = arith.constant 0 : i32
    %c0_i32_0 = arith.constant 0 : i32
    return %arg0, %c0_i32 : i32, i32
  }
  func.func @transform_2(%arg0: i32) -> (i32, i32) {
    %c0_i32 = arith.constant 0 : i32
    %c0_i32_0 = arith.constant 0 : i32
    return %arg0, %c0_i32 : i32, i32
  }
  func.func @transform_3(%arg0: i32) -> (i32, i32) {
    %c0_i32 = arith.constant 0 : i32
    %c0_i32_0 = arith.constant 0 : i32
    %c0_i32_1 = arith.constant 0 : i32
    return %c0_i32, %c0_i32_0 : i32, i32
  }
  func.func @transform_4(%arg0: i32) -> (i32, i32) {
    %c0_i32 = arith.constant 0 : i32
    %c0_i32_0 = arith.constant 0 : i32
    %c0_i32_1 = arith.constant 0 : i32
    return %c0_i32, %c0_i32_0 : i32, i32
  }
  func.func @transform_5(%arg0: i32) -> (i32, i32) {
    %c0_i32 = arith.constant 0 : i32
    %c0_i32_0 = arith.constant 0 : i32
    return %arg0, %c0_i32 : i32, i32
  }
  func.func @transform_6(%arg0: i32) -> (i32, i32) {
    %c0_i32 = arith.constant 0 : i32
    %c0_i32_0 = arith.constant 0 : i32
    return %arg0, %c0_i32 : i32, i32
  }
}

module attributes {stable_mosaic.version = 14 : i64} {
  func.func @body(%arg0: i32, %arg1: memref<1000x128xf32, #tpu.memory_space<vmem>>, %arg2: memref<1000x128xf32, #tpu.memory_space<vmem>>, %arg3: memref<1000x128xf32, #tpu.memory_space<vmem>>, %arg4: memref<128x128xf32, #tpu.memory_space<vmem>>, %arg5: memref<1000x128xf32, #tpu.memory_space<vmem>>) attributes {dimension_semantics = [#tpu.dimension_semantics<arbitrary>], iteration_bounds = array<i64: 10>, scalar_prefetch = 0 : i64, scratch_operands = 0 : i64, tpu.core_type = #tpu.core_type<tc>, window_params = [{transform_indices = @transform_0, window_bounds = array<i64: 1000, 128>}, {transform_indices = @transform_1, window_bounds = array<i64: 1000, 128>}, {transform_indices = @transform_2, window_bounds = array<i64: 1000, 128>}, {pipeline_mode = #tpu.pipeline_mode<synchronous>, transform_indices = @transform_3, window_bounds = array<i64: 128, 128>}, {transform_indices = @transform_4, window_bounds = array<i64: 1000, 128>}]} {
    %get3A = arith.constant 0 : index
    %get3A_0 = arith.constant 0 : index
    %get3A_1 = vector.load %arg2[%get3A, %get3A_0] : memref<1000x128xf32, #tpu.memory_space<vmem>>, vector<1000x128xf32>
    %get3A_2 = arith.constant 0 : index
    %get3A_3 = arith.constant 0 : index
    %get3A_4 = vector.load %arg3[%get3A_2, %get3A_3] : memref<1000x128xf32, #tpu.memory_space<vmem>>, vector<1000x128xf32>
    %add3A = arith.addf %get3A_1, %get3A_4 : vector<1000x128xf32>
    %mul3A = arith.constant 9.99999974E-5 : f32
    %mul3A_5 = vector.broadcast %mul3A : f32 to vector<1000x128xf32>
    %mul3A_6 = arith.mulf %add3A, %mul3A_5 : vector<1000x128xf32>
    %get3A_7 = arith.constant 0 : index
    %get3A_8 = arith.constant 0 : index
    %get3A_9 = vector.load %arg1[%get3A_7, %get3A_8] : memref<1000x128xf32, #tpu.memory_space<vmem>>, vector<1000x128xf32>
    %get3A_10 = arith.constant 0 : index
    %get3A_11 = arith.constant 0 : index
    %get3A_12 = vector.load %arg4[%get3A_10, %get3A_11] : memref<128x128xf32, #tpu.memory_space<vmem>>, vector<128x128xf32>
    %dot_general3A = arith.constant dense<0.000000e+00> : vector<1000x128xf32>
    %dot_general3A_13 = tpu.matmul %mul3A_6, %get3A_12, %dot_general3A {dimension_numbers = #tpu.dot_dimension_numbers<[1], [0], [0], [1], [0, 0, 1, 1], [], []>, transpose_lhs_hint = false} : vector<1000x128xf32>, vector<128x128xf32>, vector<1000x128xf32> -> vector<1000x128xf32>
    %add3A_14 = arith.addf %get3A_9, %dot_general3A_13 : vector<1000x128xf32>
    %swap3A = arith.constant 0 : index
    %swap3A_15 = arith.constant 0 : index
    %swap3A_16 = vector.load %arg5[%swap3A, %swap3A_15] : memref<1000x128xf32, #tpu.memory_space<vmem>>, vector<1000x128xf32>
    tpu.vector_store %arg5[%swap3A, %swap3A_15], %add3A_14 {strides = array<i32>} : memref<1000x128xf32, #tpu.memory_space<vmem>>, vector<1000x128xf32>,
    return
  }
  func.func @transform_0(%arg0: i32) -> (i32, i32) {
    %c0_i32 = arith.constant 0 : i32
    %c0_i32_0 = arith.constant 0 : i32
    return %arg0, %c0_i32 : i32, i32
  }
  func.func @transform_1(%arg0: i32) -> (i32, i32) {
    %c0_i32 = arith.constant 0 : i32
    %c0_i32_0 = arith.constant 0 : i32
    return %arg0, %c0_i32 : i32, i32
  }
  func.func @transform_2(%arg0: i32) -> (i32, i32) {
    %c0_i32 = arith.constant 0 : i32
    %c0_i32_0 = arith.constant 0 : i32
    return %arg0, %c0_i32 : i32, i32
  }
  func.func @transform_3(%arg0: i32) -> (i32, i32) {
    %c0_i32 = arith.constant 0 : i32
    %c0_i32_0 = arith.constant 0 : i32
    %c0_i32_1 = arith.constant 0 : i32
    return %c0_i32, %c0_i32_0 : i32, i32
  }
  func.func @transform_4(%arg0: i32) -> (i32, i32) {
    %c0_i32 = arith.constant 0 : i32
    %c0_i32_0 = arith.constant 0 : i32
    return %arg0, %c0_i32 : i32, i32
  }
}

</mosaic_0001>

<sc_bundles>
// kernel: kernel.6.cloned.1.call-start
scs
__scs_entry_jumppad:
0x0: {  	(pc) =	sbr.rel $0x88, $3  }
0x1: {  	(tag) =	ssettag $0x0;
	lr =	simm.s32 $0x1  }
0x2: {  	[smem:$0x3F9D] =	sst lr;
	_ =	strace $0xD0000000  }
0x3: {  	_ = 	snop  }
0x4: {  	_ = 	snop  }
0x5: {  	_ = 	snop  }
0x6: {  	_ = 	snop  }
0x7: {  	_ = 	snop  }
__scs_overlays_trampoline_lowered:
0x8: {  	[smem:$0x3FAC] =	sst s0  }
0x9: {  	[smem:$0x3FAD] =	sst s1  }
0xa: {  	[smem:$0x3FAE] =	sst s2  }
0xb: {  	[smem:$0x3FAF] =	sst s3  }
0xc: {  	[smem:$0x3FB0] =	sst s4  }
0xd: {  	[smem:$0x3FB1] =	sst s5  }
0xe: {  	[smem:$0x3FB2] =	sst s6  }
0xf: {  	[smem:$0x3FB3] =	sst s7  }
0x10: {  	[smem:$0x3FB4] =	sst s8  }
0x11: {  	[smem:$0x3FB5] =	sst s9;
	s0 =	simm.s32 @!p0 $0x0  }
0x12: {  	s1 =	sld [smem:$0x3F9B];
	s0 =	simm.s32 @p0 $0x1  }
0x13: {  	[smem:$0x3FB6] =	sst s0;
	s0 =	simm.s32 @!p1 $0x0  }
0x14: {  	s2 =	sld [smem:$0x3F9A];
	s0 =	simm.s32 @p1 $0x1  }
0x15: {  	[smem:$0x3FB7] =	sst s0;
	s0 =	simm.s32 @!p2 $0x0  }
0x16: {  	s3 =	sld [smem:$0x3FDB];
	s0 =	simm.s32 @p2 $0x1  }
0x17: {  	s4 =	simm.s32 $0x1BF5;
	[smem:$0x3FB9] =	sst s0  }
0x18: {  	s0 =	sld [smem:$0x3F9C];
	_ =	swait.ge [sflag:s4], $0x0  }
0x19: {  	s7 =	sld [smem:$0x3F9D]  }
0x1a: {  	s8 =	sadd.s32 $0xFFFFE003, lr  }
0x1b: {  	s9 =	sadd.s32 $0xFFFFFEF7, lr;
	s5 =	simm.s32 $0xFFFFFFFF;
	p2 =	slt.u32 s8, $0xFFFFF086  }
0x1c: {  	p1 =	slt.u32 s9, $0xF7A;
	s5 =	simm.s32 @!p2 $0x0  }
0x1d: {  	s5 =	simm.s32 @p1 $0x1;
	p0 =	seq.s32 s7, s2  }
0x1e: {  	s7 =	smul.u32 @!p0 $0xF7A, s2;
	p2 =	seq.s32 @!p0 s5, $0x0  }
0x1f: {  	s9 =	smul.u32 $0xF7A, s1;
	s8 =	simm.s32 @!p0 $0x1BF5;
	p2 =	por !p2, p0  }
0x20: {  	[sflag:s8] =	ssyncset.s32 @!p0 $0xFFFFF086;
	s6 =	sadd.s32 @!p0 s3, s7;
	s7 =	simm.s32 @!p0 $0x108  }
0x21: {  	s3 =	sadd.s32 s3, s9;
	s6 =	sadd.s32 @!p0 $0x88, s6;
	s7 =	simm.s32 @p2 $0x1082  }
0x22: {  	[simem:s7], [sflag:s8] =	dma.local @!p0 [hbm:s6], $0xF7A  }
0x23: {  	s9 =	sor.u32 $0xD0000000, s2;
	s6 =	simm.s32 $0x108;
	_ =	swait.ge @!p0 [sflag:s8], $0x0  }
0x24: {  	s3 =	sadd.s32 $0x88, s3;
	s6 =	simm.s32 @!p1 $0x1082;
	[sflag:s4] =	ssyncset.s32 $0xFFFFF086  }
0x25: {  	[simem:s6], [sflag:s4] =	dma.local [hbm:s3], $0xF7A  }
0x26: {  	[smem:$0x3F9D] =	sst s1;
	(tag) =	ssettag s2;
	_ =	strace s9  }
0x27: {  	s1 =	sld [smem:$0x3FAD]  }
0x28: {  	s2 =	sld [smem:$0x3FAE]  }
0x29: {  	s4 =	sld [smem:$0x3FB0]  }
0x2a: {  	p0 =	seq.s32 s5, $0x0;
	s5 =	sld [smem:$0x3FB1]  }
0x2b: {  	s6 =	sld [smem:$0x3FB2]  }
0x2c: {  	s7 =	sld [smem:$0x3FB3]  }
0x2d: {  	s3 =	simm.s32 $0x108;
	s8 =	sld [smem:$0x3FB4]  }
0x2e: {  	s3 =	simm.s32 @!p0 $0x1082;
	s9 =	sld [smem:$0x3FB5]  }
0x2f: {  	lr =	sadd.s32 s0, s3;
	s0 =	sld [smem:$0x3FAC]  }
0x30: {  	s3 =	sld [smem:$0x3FAF]  }
0x31: {  	[smem:$0x3FB8] =	sst s10  }
0x32: {  	s10 =	sld [smem:$0x3FB6];
	_ =	sdelay $0x3  }
0x33: {  	p0 =	seq.s32 s10, $0x1;
	s10 =	sld [smem:$0x3FB8];
	_ =	sdelay $0x3  }
0x34: {  	[smem:$0x3FB8] =	sst s10  }
0x35: {  	s10 =	sld [smem:$0x3FB7];
	_ =	sdelay $0x3  }
0x36: {  	p1 =	seq.s32 s10, $0x1;
	s10 =	sld [smem:$0x3FB8];
	_ =	sdelay $0x3  }
0x37: {  	[smem:$0x3FB8] =	sst s10  }
0x38: {  	s10 =	sld [smem:$0x3FB9]  }
0x39: {  	_ = 	snop;
	(pc) =	sbr.ind lr, $3  }
0x3a: {  	_ = 	snop  }
0x3b: {  	_ = 	snop  }
0x3c: {  	p2 =	seq.s32 s10, $0x1;
	s10 =	sld [smem:$0x3FB8]  }
0x3d: {  	_ =	shalt  }
0x3e: {  	_ =	shalt  }
0x3f: {  	_ =	shalt  }
0x40: {  	_ =	shalt  }
0x41: {  	_ =	shalt  }
0x42: {  	_ =	shalt  }
0x43: {  	_ =	shalt  }
0x44: {  	_ =	shalt  }
0x45: {  	_ =	shalt  }
0x46: {  	_ =	shalt  }
0x47: {  	_ =	shalt  }
0x48: {  	_ =	shalt  }
0x49: {  	_ =	shalt  }
0x4a: {  	_ =	shalt  }
0x4b: {  	_ =	shalt  }
0x4c: {  	_ =	shalt  }
0x4d: {  	_ =	shalt  }
0x4e: {  	_ =	shalt  }
0x4f: {  	_ =	shalt  }
0x50: {  	_ =	shalt  }
0x51: {  	_ =	shalt  }
0x52: {  	_ =	shalt  }
0x53: {  	_ =	shalt  }
0x54: {  	_ =	shalt  }
0x55: {  	_ =	shalt  }
0x56: {  	_ =	shalt  }
0x57: {  	_ =	shalt  }
0x58: {  	_ =	shalt  }
0x59: {  	_ =	shalt  }
0x5a: {  	_ =	shalt  }
0x5b: {  	_ =	shalt  }
0x5c: {  	_ =	shalt  }
0x5d: {  	_ =	shalt  }
0x5e: {  	_ =	shalt  }
0x5f: {  	_ =	shalt  }
0x60: {  	_ =	shalt  }
0x61: {  	_ =	shalt  }
0x62: {  	_ =	shalt  }
0x63: {  	_ =	shalt  }
0x64: {  	_ =	shalt  }
0x65: {  	_ =	shalt  }
0x66: {  	_ =	shalt  }
0x67: {  	_ =	shalt  }
0x68: {  	_ =	shalt  }
0x69: {  	_ =	shalt  }
0x6a: {  	_ =	shalt  }
0x6b: {  	_ =	shalt  }
0x6c: {  	_ =	shalt  }
0x6d: {  	_ =	shalt  }
0x6e: {  	_ =	shalt  }
0x6f: {  	_ =	shalt  }
0x70: {  	_ =	shalt  }
0x71: {  	_ =	shalt  }
0x72: {  	_ =	shalt  }
0x73: {  	_ =	shalt  }
0x74: {  	_ =	shalt  }
0x75: {  	_ =	shalt  }
0x76: {  	_ =	shalt  }
0x77: {  	_ =	shalt  }
0x78: {  	_ =	shalt  }
0x79: {  	_ =	shalt  }
0x7a: {  	_ =	shalt  }
0x7b: {  	_ =	shalt  }
0x7c: {  	_ =	shalt  }
0x7d: {  	_ =	shalt  }
0x7e: {  	_ =	shalt  }
0x7f: {  	_ =	shalt  }
0x80: {  	_ =	shalt  }
0x81: {  	_ =	shalt  }
0x82: {  	_ =	shalt  }
0x83: {  	_ =	shalt  }
0x84: {  	_ =	shalt  }
0x85: {  	_ =	shalt  }
0x86: {  	_ =	shalt  }
0x87: {  	_ =	shalt  }
.Lfunc_end0:
.L_simem_size_0:
called_computation_lowered:
.L_overlay_start_0:
0x88: {  	s2 =	sld [smem:$0x3FD9]  }
0x89: {  	s3 =	sld [smem:$0x3FFE];
	_ =	sdelay $0x1  }
0x8a: {  	s1 =	srdreg.scid  }
0x8b: {  	s0 =	sand.u32 $0x1, s1  }
0x8c: {  	s17 =	sshll.u32 s0, $0xA;
	s2 =	sadd.s32 s3, s2  }
0x8d: {  	s2 =	sadd.s32 s2, s17  }
0x8e: {  	[smem:$0x3FC4] =	sst s2  }
0x8f: {  	_ = 	snop  }
0x90: {  	s2 =	sld [smem:$0x3FC9];
	(tm) =	ssettm $0x1  }
0x91: {  	s18 =	sld [smem:$0x3FFB];
	_ =	sdelay $0x3  }
0x92: {  	_ =	strace s18  }
0x93: {  	s3 =	sld [smem:$0x3FFC];
	_ =	sdelay $0x3  }
0x94: {  	_ =	strace s3  }
0x95: {  	s3 =	sld [smem:$0x3FFD];
	_ =	sdelay $0x3  }
0x96: {  	_ =	strace s3  }
0x97: {  	_ =	strace $0x8FFFFFFF  }
0x98: {  	s19 =	sld [smem:$0x3FDB];
	_ =	sdelay $0x1  }
0x99: {  	s4 =	simm.s32 $_scs_section_size  }
0x9a: {  	s5 =	simm.s32 $_size__tile_overlayer_lowered;
	s6 =	simm.s32 $_tile_overlayer_lowered  }
0x9b: {  	s22 =	simm.s32 $0x1BFF;
	s21 =	sshll.u32 s6, $0x1;
	s3 =	sadd.s32 s4, s19  }
0x9c: {  	s7 =	simm.s32 $0x0;
	s20 =	sshll.u32 s5, $0x1;
	s5 =	sadd.s32 s21, s3  }
0x9d: {  	[timem:s7], [sflag:s22] =	dma.local [hbm:s5], s20  }
0x9e: {  	_ =	swait.ge [sflag:s22], s20  }
0x9f: {  	s4 =	ssub.s32 $0x0, s20;
	[sflag:s22] =	ssyncset.done $0x0  }
0xa0: {  	[sflag:s22] =	ssyncadd.s32 s4;
	_ =	sdelay $0x1  }
0xa1: {  	s23 =	simm.s32 $0x1B8B  }
0xa2: {  	_ =	swait.ge [sflag:s23], $0x1  }
0xa3: {  	[sflag:s23] =	ssyncset.done $0x0  }
0xa4: {  	s25 =	simm.s32 $0x1B8E;
	s24 =	sld [smem:$0x3FFE];
	[sflag:s23] =	ssyncadd.s32 $0xFFFFFFFF  }
0xa5: {  	s26 =	simm.s32 $execute0_lowered;
	[smem:$0x3FD2] =	sst s25  }
0xa6: {  	s5 =	sshll.u32 s26, $0x1;
	_ =	strace $0x80000046;
	[dreg:$0x1] =	wrdreg $0xFFFFFFFF  }
0xa7: {  	s28 =	simm.s32 $_size_execute0_lowered;
	s3 =	sadd.s32 s3, s5;
	[dreg:$0x0] =	wrdreg $0x0  }
0xa8: {  	s5 =	sshll.u32 s28, $0x1;
	[dreg:$0x2] =	wrdreg s3  }
0xa9: {  	[dreg:$0x3] =	wrdreg s5  }
0xaa: {  	[dreg:$0x4] =	wrdreg $0xC0  }
0xab: {  	_ =	task [dreg:s7], $0x5FFFF  }
0xac: {  	[dreg:$0x1] =	wrdreg $0xFFFFFFFF  }
0xad: {  	[dreg:$0x0] =	wrdreg $0x60  }
0xae: {  	[dreg:$0x2] =	wrdreg s2  }
0xaf: {  	[dreg:$0x3] =	wrdreg s24  }
0xb0: {  	[dreg:$0x4] =	wrdreg $0x83000  }
0xb1: {  	[dreg:$0x5] =	wrdreg $0x9  }
0xb2: {  	_ =	task.clear_ibuf [dreg:s7], $0x6FFFF;
	_ =	strace $0x90000046  }
0xb3: {  	s29 =	simm.s32 $0x9;
	_ =	strace $0x80000048  }
0xb4: {  	_ =	swait.ge [sflag:s29], $0x1  }
0xb5: {  	[sflag:s29] =	ssyncadd.s32 $0xFFFFFFFF  }
0xb6: {  	_ =	strace $0x90000048  }
0xb7: {  	_ =	sfence  }
0xb8: {  	s30 =	sld [smem:$0x0];
	_ =	sdelay $0x2  }
0xb9: {  	s31 =	sshll.u32 s1, $0xD;
	s1 =	sshrl.u32 s1, $0x2  }
0xba: {  	s3 =	sand.u32 $0x4000, s31;
	s1 =	sadd.s32 s1, s30  }
0xbb: {  	s0 =	sor.u32 s3, s0;
	s1 =	sshll.u32 s1, $0x11  }
0xbc: {  	s0 =	sor.u32 s1, s0  }
0xbd: {  	s0 =	sadd.s32 $0x8F2B, s0  }
0xbe: {  	[sflag:s0] =	ssyncadd.remote.s32 $0x1  }
0xbf: {  	_ =	sfence.sel $0xFFFF  }
0xc0: {  	[dreg:$0x0] =	wrdreg $0xFFFFFFFF;
	(pc) =	sbr.abs _section_cstart, $3  }
0xc1: {  	[dreg:$0x1] =	wrdreg $0xFFFFFFFF  }
0xc2: {  	_ =	task.clear_ibuf [dreg:s7], $0x2FFFF;
	_ =	strace $0x9FFFFFFF  }
0xc3: {  	(tm) =	ssettm $0x7FFFFFFF  }
tec
execute0_lowered:
.L_overlay_start_1:
0x0: {  	(tag) =	ssettag $0x1  }
0x1: {  	s1 =	rddreg [dreg:$0x0]  }
0x2: {  	s0 =	rddreg [dreg:$0x1]  }
0x3: {  	s3 =	rddreg [dreg:$0x2];
	s4 =	simm.s32 $0x0  }
0x4: {  	s2 =	srdreg.scid;
	s11 =	stileid.u32;
	s28 =	simm.s32 $0x200  }
0x5: {  	s29 =	simm.s32 $0x280;
	s30 =	simm.s32 $0x3;
	s31 =	simm.s32 $0x4300  }
0x6: {  	[smem:$0x7FF] =	sst s4;
	s2 =	sand.u32 $0x1, s2;
	s8 =	smul.u32 $0x2780, s11  }
0x7: {  	s5 =	sadd.s32 $0x15800, s0;
	s6 =	sadd.s32 $0xB800, s0;
	s10 =	smul.u32 $0x4F000, s11  }
0x8: {  	s7 =	sadd.s32 $0x1800, s0;
	s15 =	sshll.u32 s11, $0x1;
	_ =	strace $0x80000047  }
0x9: {  	s9 =	smul.u32 $0x27800, s2;
	s16 =	ssub.s32 $0x2, s2;
	s2 =	sor.u32 s2, s15  }
0xa: {  	s17 =	sshrl.u32 s10, $0x2;
	s18 =	sshrl.u32 s16, $0x1;
	s2 =	smul.u32 $0x2800, s2  }
0xb: {  	s9 =	sadd.s32 s8, s9;
	s8 =	sadd.s32 s17, s3;
	s19 =	ssub.s32 s16, s18  }
0xc: {  	s0 =	sadd.s32 s9, s0;
	s20 =	sadd.s32 $0x4000, s8;
	s21 =	sadd.s32 $0x8000, s8  }
0xd: {  	s22 =	sadd.s32 $0xC000, s8;
	s23 =	sshrl.u32 s2, $0x3;
	[dreg:$0x4] =	wrdreg s20  }
0xe: {  	s24 =	sadd.s32 $0x10000, s8;
	s16 =	sor.u32 $0x80, s2;
	[dreg:$0x5] =	wrdreg s21  }
0xf: {  	s17 =	sor.u32 $0x100, s2;
	s19 =	smax.u32 s19, $0x1;
	[dreg:$0x6] =	wrdreg s22  }
0x10: {  	s2 =	simm.s32 $0x5;
	[dreg:$0x7] =	wrdreg s24;
	s25 =	sadd.s32 s5, s23  }
0x11: {  	s26 =	sadd.s32 s6, s23;
	s10 =	sadd.s32 s7, s23;
	[dreg:$0x8] =	wrdreg s25  }
0x12: {  	s0 =	sadd.s32 $0x1F800, s0;
	s20 =	simm.s32 $0x300;
	[dreg:$0x9] =	wrdreg s26  }
0x13: {  	s21 =	simm.s32 $0x6;
	s22 =	simm.s32 $0x80;
	[dreg:$0xa] =	wrdreg s10  }
0x14: {  	s23 =	simm.s32 $0x100;
	s24 =	simm.s32 $0x2;
	[dreg:$0xb] =	wrdreg s0  }
0x15: {  	v0 =	vimm.f32 $0.0e+00;
	s25 =	simm.s32 $0x1;
	s26 =	simm.s32 $0x180;
	s0 =	simm.s32 $0x4  }
.LBB2_1:
0x16: {  	s9 =	simm.s32 $0x0;
	s10 =	simm.s32 $0x200  }
.LBB2_2:
0x17: {  	p0 =	sne.s32 s10, $0xFE00;
	[tilespmem:s9+$0x370] =	vst v0  }
0x18: {  	[tilespmem:s9+$0x300] =	vst v0  }
0x19: {  	[tilespmem:s9+$0x310] =	vst v0  }
.Ltmp0:
0x1a: {  	[tilespmem:s9+$0x320] =	vst v0;
	(pc) =	sbr.rel @p0 .LBB2_2-.Ltmp0, $4  }
0x1b: {  	[tilespmem:s9+$0x330] =	vst v0  }
0x1c: {  	[tilespmem:s9+$0x340] =	vst v0  }
0x1d: {  	[tilespmem:s9+$0x350] =	vst v0  }
0x1e: {  	[tilespmem:s9+$0x360] =	vst v0;
	s9 =	sshra.s32 s10, $0x2;
	s10 =	sadd.s32 $0x200, s10  }
0x1f: {  	[tilespmem:s9+$0x370] =	vst v0  }
0x20: {  	[tilespmem:s9+$0x300] =	vst v0  }
0x21: {  	[tilespmem:s9+$0x310] =	vst v0  }
0x22: {  	[tilespmem:s9+$0x320] =	vst v0  }
0x23: {  	[tilespmem:s9+$0x330] =	vst v0  }
0x24: {  	[tilespmem:s9+$0x340] =	vst v0  }
0x25: {  	[tilespmem:s9+$0x350] =	vst v0  }
0x26: {  	[tilespmem:s9+$0x360] =	vst v0  }
0x27: {  	[spmem:s8] =	stream.linear.scatter [tilespmem:s20], [sflag:$0x6], $0x4000, $0x38;
	[tilespmem:$0x1BF00] =	vst v63  }
0x28: {  	_ =	swait.ge [sflag:s21], $0x4000  }
0x29: {  	[sflag:s21] =	ssyncset.done $0x0  }
0x2a: {  	s11 =	rddreg [dreg:$0x4];
	[sflag:s21] =	ssyncadd.s32 $0xFFFFC000  }
0x2b: {  	[spmem:s11] =	stream.linear.scatter [tilespmem:s20], [sflag:$0x6], $0x4000, $0x38;
	[tilespmem:$0x1BF00] =	vst v63  }
0x2c: {  	_ =	swait.ge [sflag:s21], $0x4000  }
0x2d: {  	[sflag:s21] =	ssyncset.done $0x0  }
0x2e: {  	s12 =	rddreg [dreg:$0x5];
	[sflag:s21] =	ssyncadd.s32 $0xFFFFC000  }
0x2f: {  	[spmem:s12] =	stream.linear.scatter [tilespmem:s20], [sflag:$0x6], $0x4000, $0x38;
	[tilespmem:$0x1BF00] =	vst v63  }
0x30: {  	_ =	swait.ge [sflag:s21], $0x4000  }
0x31: {  	[sflag:s21] =	ssyncset.done $0x0  }
0x32: {  	s13 =	rddreg [dreg:$0x6];
	[sflag:s21] =	ssyncadd.s32 $0xFFFFC000  }
0x33: {  	[spmem:s13] =	stream.linear.scatter [tilespmem:s20], [sflag:$0x6], $0x4000, $0x38;
	[tilespmem:$0x1BF00] =	vst v63  }
0x34: {  	_ =	swait.ge [sflag:s21], $0x4000  }
0x35: {  	[sflag:s21] =	ssyncset.done $0x0  }
0x36: {  	s14 =	rddreg [dreg:$0x7];
	[sflag:s21] =	ssyncadd.s32 $0xFFFFC000  }
0x37: {  	[spmem:s14] =	stream.linear.scatter [tilespmem:s20], [sflag:$0x6], $0x3C00, $0x38;
	[tilespmem:$0x1BF00] =	vst v63  }
0x38: {  	_ =	swait.ge [sflag:s21], $0x3C00  }
0x39: {  	[sflag:s21] =	ssyncset.done $0x0  }
0x3a: {  	[sflag:s21] =	ssyncadd.s32 $0xFFFFC400  }
0x3b: {  	[bflag:$0x0] =	sbarrier.arrive $0xFFFF  }
0x3c: {  	s9 =	simm.s32 $0x0;
	s10 =	rddreg [dreg:$0x8]  }
0x3d: {  	[tilespmem:s9], [sflag:$0x2] =	stream.linear.gather [hbm4b:s10+s9], $0x80, $0x38;
	[tilespmem:$0x1BF00] =	vst v63  }
0x3e: {  	s15 =	rddreg [dreg:$0x9]  }
0x3f: {  	[tilespmem:s22], [sflag:$0x2] =	stream.linear.gather [hbm4b:s15+s9], $0x80, $0x38;
	[tilespmem:$0x1BF00] =	vst v63  }
0x40: {  	s18 =	rddreg [dreg:$0xa];
	s10 =	simm.s32 $0x0  }
0x41: {  	[tilespmem:s23], [sflag:$0x2] =	stream.linear.gather [hbm4b:s18+s9], $0x80, $0x38;
	[tilespmem:$0x1BF00] =	vst v63  }
.LBB2_4:
0x42: {  	p0 =	seq.s32 s10, $0x0  }
0x43: {  	s11 =	simm.s32 @!p0 $0x4  }
0x44: {  	_ =	swait.ge @!p0 [sflag:s11], $0x4000  }
0x45: {  	[sflag:s11] =	ssyncset.done @!p0 $0x0  }
0x46: {  	[sflag:s11] =	ssyncadd.s32 @!p0 $0xFFFFC000  }
0x47: {  	_ =	swait.ge [sflag:s24], $0x80  }
0x48: {  	[sflag:s24] =	ssyncset.done $0x0  }
0x49: {  	[sflag:s24] =	ssyncadd.s32 $0xFFFFFF80  }
0x4a: {  	_ =	swait.ge [sflag:s24], $0x80  }
0x4b: {  	[sflag:s24] =	ssyncset.done $0x0  }
0x4c: {  	[sflag:s24] =	ssyncadd.s32 $0xFFFFFF80  }
0x4d: {  	_ =	swait.ge [sflag:s24], $0x80  }
0x4e: {  	[sflag:s24] =	ssyncset.done $0x0  }
0x4f: {  	s11 =	sshll.u32 s10, $0x8;
	[sflag:s24] =	ssyncadd.s32 $0xFFFFFF80  }
0x50: {  	[tilespmem:s20], [sflag:$0x1] =	stream.indirect.gather [hbm4b:s1+s22], $0x80, s9, s22, $0xb8;
	[tilespmem:$0x1BF00] =	vst v63  }
0x51: {  	s12 =	sadd.s32 s11, s16;
	_ =	swait.ge [sflag:s25], $0x4000  }
0x52: {  	s12 =	sshrl.u32 s12, $0x3;
	[sflag:s25] =	ssyncset.done $0x0  }
0x53: {  	s13 =	sadd.s32 s5, s12;
	[sflag:s25] =	ssyncadd.s32 $0xFFFFC000  }
0x54: {  	[tilespmem:s26], [sflag:$0x3] =	stream.linear.gather [hbm4b:s13+s9], $0x80, $0x38;
	[tilespmem:$0x1BF00] =	vst v63  }
0x55: {  	s15 =	sadd.s32 s6, s12  }
0x56: {  	[tilespmem:s28], [sflag:$0x3] =	stream.linear.gather [hbm4b:s15+s9], $0x80, $0x38;
	[tilespmem:$0x1BF00] =	vst v63  }
0x57: {  	s18 =	simm.s32 $0x1;
	s12 =	sadd.s32 s7, s12  }
0x58: {  	[tilespmem:s29], [sflag:$0x3] =	stream.linear.gather [hbm4b:s12+s9], $0x80, $0x38;
	[tilespmem:$0x1BF00] =	vst v63  }
0x59: {  	v1 =	vmov s18;
	s12 =	simm.s32 $0x380  }
0x5a: {  	v6 =	vld [tilespmem:s12+$0xFFFFFFF0]  }
0x5b: {  	v5 =	vld [tilespmem:s12+$0x60]  }
0x5c: {  	v4 =	vld [tilespmem:s12+$0x50]  }
0x5d: {  	v2 =	vmov s9;
	v10 =	vld [tilespmem:s12+$0xFFFFFFD0]  }
0x5e: {  	v2 =	vand.u32 $0xFFFFFFFE, v2;
	v7 =	vld.idx.msk [tilespmem:v1+s23+$0x0], $0xffff  }
0x5f: {  	v1 =	vbroadcast v2, $0x0;
	v2 =	vld [tilespmem:s12+$0x0]  }
0x60: {  	v8 =	vld [tilespmem:s12+$0x70]  }
0x61: {  	v3 =	vld [tilespmem:s12+$0x10]  }
0x62: {  	v9 =	vld [tilespmem:s12+$0x20]  }
0x63: {  	v11 =	vld [tilespmem:s12+$0x30]  }
0x64: {  	v12 =	vld [tilespmem:s12+$0x40]  }
0x65: {  	v14 =	vld [tilespmem:s12+$0xFFFFFF80];
	v13 =	vmul.f32 v2, v7  }
0x66: {  	v2 =	vld.idx.msk [tilespmem:v1+s23+$0x0], $0xffff;
	v1 =	vmul.f32 v3, v7  }
0x67: {  	v62 =	vld [tilespmem:s12+$0xFFFFFFA0];
	v9 =	vmul.f32 v9, v7;
	[tilespmem:s12+$0x0] =	vst v13  }
0x68: {  	v63 =	vmul.f32 v5, v7;
	v5 =	vld [tilespmem:s12+$0xFFFFFF90];
	[tilespmem:s12+$0x10] =	vst v1;
	v1 =	vmul.f32 v11, v7  }
0x69: {  	v3 =	vld [tilespmem:s12+$0xFFFFFFE0];
	[tilespmem:s12+$0x20] =	vst v9;
	v9 =	vmul.f32 v12, v7  }
0x6a: {  	[tilespmem:s12+$0x30] =	vst v1;
	v1 =	vld [tilespmem:s12+$0xFFFFFFB0]  }
0x6b: {  	v11 =	vmul.f32 v4, v7;
	[tilespmem:s12+$0x40] =	vst v9;
	v9 =	vmul.f32 v6, v2;
	v6 =	vld [tilespmem:s12+$0xFFFFFFC0]  }
0x6c: {  	[tilespmem:s12+$0x60] =	vst v63;
	v4 =	vmul.f32 v8, v7;
	v8 =	vmul.f32 v14, v2  }
0x6d: {  	s14 =	simm.s32 $0x380;
	s13 =	simm.s32 $0x2;
	[tilespmem:s12+$0x50] =	vst v11;
	v7 =	vmul.f32 v62, v2;
	v10 =	vmul.f32 v10, v2  }
.LBB2_5:
0x6e: {  	p1 =	sne.s32 s13, $0x7E  }
0x6f: {  	v5 =	vmul.f32 v5, v2;
	v3 =	vmul.f32 v3, v2;
	[tilespmem:s12+$0x70] =	vst v4;
	s14 =	sadd.s32 $0x100, s14;
	s15 =	smov.u32 s13;
	s13 =	sadd.s32 $0x2, s13  }
0x70: {  	v1 =	vmul.f32 v1, v2;
	v2 =	vmul.f32 v6, v2;
	[tilespmem:s12+$0xFFFFFFF0] =	vst v9  }
0x71: {  	[tilespmem:s12+$0xFFFFFF80] =	vst v8  }
0x72: {  	s18 =	sadd.s32 $0x1, s15;
	v9 =	vld [tilespmem:s14+$0xFFFFFFF0];
	[tilespmem:s12+$0xFFFFFFD0] =	vst v10  }
0x73: {  	v4 =	vmov s18;
	v8 =	vld [tilespmem:s14+$0x60];
	[tilespmem:s12+$0xFFFFFFA0] =	vst v7  }
0x74: {  	v7 =	vld [tilespmem:s14+$0x50];
	[tilespmem:s12+$0xFFFFFFB0] =	vst v1  }
0x75: {  	v1 =	vld [tilespmem:s14+$0xFFFFFFB0];
	[tilespmem:s12+$0xFFFFFFC0] =	vst v2  }
0x76: {  	v10 =	vld [tilespmem:s14+$0xFFFFFFD0];
	[tilespmem:s12+$0xFFFFFFE0] =	vst v3  }
0x77: {  	v2 =	vmov s15;
	v3 =	vld [tilespmem:s14+$0x70];
	[tilespmem:s12+$0xFFFFFF90] =	vst v5;
	s12 =	smov.u32 s14  }
0x78: {  	v2 =	vand.u32 $0xFFFFFFFE, v2;
	v11 =	vld.idx.msk [tilespmem:v4+s23+$0x0], $0xffff  }
0x79: {  	v2 =	vbroadcast v2, $0x0;
	v4 =	vld [tilespmem:s14+$0x0]  }
0x7a: {  	v5 =	vld [tilespmem:s14+$0x10]  }
0x7b: {  	v6 =	vld [tilespmem:s14+$0x20]  }
0x7c: {  	v12 =	vld [tilespmem:s14+$0x30]  }
0x7d: {  	v13 =	vld [tilespmem:s14+$0x40]  }
0x7e: {  	v14 =	vld [tilespmem:s14+$0xFFFFFF80];
	v15 =	vmul.f32 v4, v11;
	v4 =	vmul.f32 v3, v11  }
0x7f: {  	v2 =	vld.idx.msk [tilespmem:v2+s23+$0x0], $0xffff;
	v5 =	vmul.f32 v5, v11  }
0x80: {  	v16 =	vld [tilespmem:s14+$0xFFFFFFA0];
	[tilespmem:s14+$0x0] =	vst v15;
	v6 =	vmul.f32 v6, v11  }
0x81: {  	v3 =	vld [tilespmem:s14+$0xFFFFFFE0];
	[tilespmem:s14+$0x10] =	vst v5;
	v12 =	vmul.f32 v12, v11  }
.Ltmp1:
0x82: {  	v5 =	vld [tilespmem:s14+$0xFFFFFF90];
	[tilespmem:s14+$0x20] =	vst v6;
	v13 =	vmul.f32 v13, v11;
	(pc) =	sbr.rel @p1 .LBB2_5-.Ltmp1, $4  }
0x83: {  	v7 =	vmul.f32 v7, v11;
	v6 =	vld [tilespmem:s14+$0xFFFFFFC0];
	[tilespmem:s14+$0x30] =	vst v12  }
0x84: {  	v11 =	vmul.f32 v8, v11;
	[tilespmem:s14+$0x40] =	vst v13  }
0x85: {  	v8 =	vmul.f32 v14, v2;
	v9 =	vmul.f32 v9, v2;
	[tilespmem:s14+$0x50] =	vst v7  }
0x86: {  	v10 =	vmul.f32 v10, v2;
	v7 =	vmul.f32 v16, v2;
	[tilespmem:s14+$0x60] =	vst v11  }
0x87: {  	[tilespmem:s12+$0x70] =	vst v4  }
0x88: {  	[tilespmem:s12+$0xFFFFFFF0] =	vst v9  }
0x89: {  	[tilespmem:s12+$0xFFFFFF80] =	vst v8  }
0x8a: {  	v1 =	vmul.f32 v1, v2;
	[tilespmem:s12+$0xFFFFFFD0] =	vst v10  }
0x8b: {  	v3 =	vmul.f32 v3, v2;
	[tilespmem:s12+$0xFFFFFFA0] =	vst v7  }
0x8c: {  	v4 =	vmul.f32 v6, v2;
	[tilespmem:s12+$0xFFFFFFB0] =	vst v1  }
0x8d: {  	v1 =	vmul.f32 v5, v2;
	[tilespmem:s12+$0xFFFFFFE0] =	vst v3  }
0x8e: {  	[tilespmem:s12+$0xFFFFFFC0] =	vst v4  }
0x8f: {  	[tilespmem:s12+$0xFFFFFF90] =	vst v1;
	s12 =	simm.s32 @!p0 $0x5  }
0x90: {  	[spmem:s3] =	stream.indirect.scatter.add.f32 [tilespmem:s20], [sflag:$0x4], $0x80, s22, s22, $0xb8;
	[tilespmem:$0x1BF00] =	vst v63  }
0x91: {  	_ =	swait.ge @!p0 [sflag:s12], $0x4000  }
0x92: {  	[sflag:s12] =	ssyncset.done @!p0 $0x0  }
0x93: {  	[sflag:s12] =	ssyncadd.s32 @!p0 $0xFFFFC000  }
0x94: {  	_ =	swait.ge [sflag:s30], $0x80  }
0x95: {  	[sflag:s30] =	ssyncset.done $0x0  }
0x96: {  	[sflag:s30] =	ssyncadd.s32 $0xFFFFFF80  }
0x97: {  	_ =	swait.ge [sflag:s30], $0x80  }
0x98: {  	[sflag:s30] =	ssyncset.done $0x0  }
0x99: {  	[sflag:s30] =	ssyncadd.s32 $0xFFFFFF80  }
0x9a: {  	_ =	swait.ge [sflag:s30], $0x80  }
0x9b: {  	[sflag:s30] =	ssyncset.done $0x0  }
0x9c: {  	p0 =	seq.s32 s10, $0x27;
	[sflag:s30] =	ssyncadd.s32 $0xFFFFFF80  }
0x9d: {  	[tilespmem:s31], [sflag:$0x1] =	stream.indirect.gather [hbm4b:s1+s22], $0x80, s26, s22, $0xb8;
	[tilespmem:$0x1BF00] =	vst v63  }
0x9e: {  	s11 =	sadd.s32 @!p0 s11, s17;
	_ =	swait.ge [sflag:s25], $0x4000  }
0x9f: {  	s11 =	sshrl.u32 @!p0 s11, $0x3;
	[sflag:s25] =	ssyncset.done $0x0  }
0xa0: {  	s13 =	simm.s32 @!p0 $0x0;
	s12 =	sadd.s32 @!p0 s5, s11;
	[sflag:s25] =	ssyncadd.s32 $0xFFFFC000  }
0xa1: {  	[tilespmem:s13], [sflag:$0x2] =	stream.linear.gather @!p0 [hbm4b:s12+s13], $0x80, $0x38;
	[tilespmem:$0x1BF00] =	vst v63  }
0xa2: {  	s14 =	simm.s32 @!p0 $0x80;
	s12 =	sadd.s32 @!p0 s6, s11  }
0xa3: {  	[tilespmem:s14], [sflag:$0x2] =	stream.linear.gather @!p0 [hbm4b:s12+s13], $0x80, $0x38;
	[tilespmem:$0x1BF00] =	vst v63  }
0xa4: {  	s15 =	simm.s32 $0x1;
	s11 =	sadd.s32 @!p0 s7, s11;
	s12 =	simm.s32 @!p0 $0x100  }
0xa5: {  	[tilespmem:s12], [sflag:$0x2] =	stream.linear.gather @!p0 [hbm4b:s11+s13], $0x80, $0x38;
	[tilespmem:$0x1BF00] =	vst v63  }
0xa6: {  	v1 =	vmov s15;
	s11 =	simm.s32 $0x4380  }
0xa7: {  	v6 =	vld [tilespmem:s11+$0xFFFFFFF0]  }
0xa8: {  	v5 =	vld [tilespmem:s11+$0x60]  }
0xa9: {  	s18 =	simm.s32 $0x0;
	v4 =	vld [tilespmem:s11+$0x50]  }
0xaa: {  	v2 =	vmov s18;
	v10 =	vld [tilespmem:s11+$0xFFFFFFD0]  }
0xab: {  	v2 =	vand.u32 $0xFFFFFFFE, v2;
	v7 =	vld.idx.msk [tilespmem:v1+s29+$0x0], $0xffff  }
0xac: {  	v1 =	vbroadcast v2, $0x0;
	v2 =	vld [tilespmem:s11+$0x0]  }
0xad: {  	v8 =	vld [tilespmem:s11+$0x70]  }
0xae: {  	v3 =	vld [tilespmem:s11+$0x10]  }
0xaf: {  	v9 =	vld [tilespmem:s11+$0x20]  }
0xb0: {  	v11 =	vld [tilespmem:s11+$0x30]  }
0xb1: {  	v12 =	vld [tilespmem:s11+$0x40]  }
0xb2: {  	v14 =	vld [tilespmem:s11+$0xFFFFFF80];
	v13 =	vmul.f32 v2, v7  }
0xb3: {  	v2 =	vld.idx.msk [tilespmem:v1+s29+$0x0], $0xffff;
	v1 =	vmul.f32 v3, v7  }
0xb4: {  	v62 =	vld [tilespmem:s11+$0xFFFFFFA0];
	v9 =	vmul.f32 v9, v7;
	[tilespmem:s11+$0x0] =	vst v13  }
0xb5: {  	v63 =	vmul.f32 v5, v7;
	v5 =	vld [tilespmem:s11+$0xFFFFFF90];
	[tilespmem:s11+$0x10] =	vst v1;
	v1 =	vmul.f32 v11, v7  }
0xb6: {  	v3 =	vld [tilespmem:s11+$0xFFFFFFE0];
	[tilespmem:s11+$0x20] =	vst v9;
	v9 =	vmul.f32 v12, v7  }
0xb7: {  	[tilespmem:s11+$0x30] =	vst v1;
	v1 =	vld [tilespmem:s11+$0xFFFFFFB0]  }
0xb8: {  	v11 =	vmul.f32 v4, v7;
	[tilespmem:s11+$0x40] =	vst v9;
	v9 =	vmul.f32 v6, v2;
	v6 =	vld [tilespmem:s11+$0xFFFFFFC0]  }
0xb9: {  	[tilespmem:s11+$0x60] =	vst v63;
	v4 =	vmul.f32 v8, v7;
	v8 =	vmul.f32 v14, v2  }
0xba: {  	s12 =	simm.s32 $0x2;
	s13 =	simm.s32 $0x4380;
	[tilespmem:s11+$0x50] =	vst v11;
	v7 =	vmul.f32 v62, v2;
	v10 =	vmul.f32 v10, v2  }
.LBB2_7:
0xbb: {  	p0 =	sne.s32 s12, $0x7E  }
0xbc: {  	v5 =	vmul.f32 v5, v2;
	v3 =	vmul.f32 v3, v2;
	[tilespmem:s11+$0x70] =	vst v4;
	s13 =	sadd.s32 $0x100, s13;
	s14 =	smov.u32 s12;
	s12 =	sadd.s32 $0x2, s12  }
0xbd: {  	v1 =	vmul.f32 v1, v2;
	v2 =	vmul.f32 v6, v2;
	[tilespmem:s11+$0xFFFFFFF0] =	vst v9  }
0xbe: {  	[tilespmem:s11+$0xFFFFFF80] =	vst v8  }
0xbf: {  	s15 =	sadd.s32 $0x1, s14;
	v9 =	vld [tilespmem:s13+$0xFFFFFFF0];
	[tilespmem:s11+$0xFFFFFFD0] =	vst v10  }
0xc0: {  	v4 =	vmov s15;
	v8 =	vld [tilespmem:s13+$0x60];
	[tilespmem:s11+$0xFFFFFFA0] =	vst v7  }
0xc1: {  	v7 =	vld [tilespmem:s13+$0x50];
	[tilespmem:s11+$0xFFFFFFB0] =	vst v1  }
0xc2: {  	v1 =	vld [tilespmem:s13+$0xFFFFFFB0];
	[tilespmem:s11+$0xFFFFFFC0] =	vst v2  }
0xc3: {  	v10 =	vld [tilespmem:s13+$0xFFFFFFD0];
	[tilespmem:s11+$0xFFFFFFE0] =	vst v3  }
0xc4: {  	v2 =	vmov s14;
	v3 =	vld [tilespmem:s13+$0x70];
	[tilespmem:s11+$0xFFFFFF90] =	vst v5;
	s11 =	smov.u32 s13  }
0xc5: {  	v2 =	vand.u32 $0xFFFFFFFE, v2;
	v11 =	vld.idx.msk [tilespmem:v4+s29+$0x0], $0xffff  }
0xc6: {  	v2 =	vbroadcast v2, $0x0;
	v4 =	vld [tilespmem:s13+$0x0]  }
0xc7: {  	v5 =	vld [tilespmem:s13+$0x10]  }
0xc8: {  	v6 =	vld [tilespmem:s13+$0x20]  }
0xc9: {  	v12 =	vld [tilespmem:s13+$0x30]  }
0xca: {  	v13 =	vld [tilespmem:s13+$0x40]  }
0xcb: {  	v14 =	vld [tilespmem:s13+$0xFFFFFF80];
	v15 =	vmul.f32 v4, v11;
	v4 =	vmul.f32 v3, v11  }
0xcc: {  	v2 =	vld.idx.msk [tilespmem:v2+s29+$0x0], $0xffff;
	v5 =	vmul.f32 v5, v11  }
0xcd: {  	v16 =	vld [tilespmem:s13+$0xFFFFFFA0];
	[tilespmem:s13+$0x0] =	vst v15;
	v6 =	vmul.f32 v6, v11  }
0xce: {  	v3 =	vld [tilespmem:s13+$0xFFFFFFE0];
	[tilespmem:s13+$0x10] =	vst v5;
	v12 =	vmul.f32 v12, v11  }
.Ltmp2:
0xcf: {  	v5 =	vld [tilespmem:s13+$0xFFFFFF90];
	[tilespmem:s13+$0x20] =	vst v6;
	v13 =	vmul.f32 v13, v11;
	(pc) =	sbr.rel @p0 .LBB2_7-.Ltmp2, $4  }
0xd0: {  	v7 =	vmul.f32 v7, v11;
	v6 =	vld [tilespmem:s13+$0xFFFFFFC0];
	[tilespmem:s13+$0x30] =	vst v12  }
0xd1: {  	v11 =	vmul.f32 v8, v11;
	[tilespmem:s13+$0x40] =	vst v13  }
0xd2: {  	v8 =	vmul.f32 v14, v2;
	v9 =	vmul.f32 v9, v2;
	[tilespmem:s13+$0x50] =	vst v7  }
0xd3: {  	v10 =	vmul.f32 v10, v2;
	v7 =	vmul.f32 v16, v2;
	[tilespmem:s13+$0x60] =	vst v11  }
0xd4: {  	[tilespmem:s11+$0x70] =	vst v4  }
0xd5: {  	[tilespmem:s11+$0xFFFFFFF0] =	vst v9  }
0xd6: {  	[tilespmem:s11+$0xFFFFFF80] =	vst v8  }
0xd7: {  	v1 =	vmul.f32 v1, v2;
	s10 =	sadd.s32 $0x1, s10;
	[tilespmem:s11+$0xFFFFFFD0] =	vst v10  }
0xd8: {  	v3 =	vmul.f32 v3, v2;
	[tilespmem:s11+$0xFFFFFFA0] =	vst v7;
	p0 =	sne.s32 s10, $0x28  }
.Ltmp3:
0xd9: {  	v63 =	vmul.f32 v6, v2;
	[tilespmem:s11+$0xFFFFFFB0] =	vst v1;
	(pc) =	sbr.rel @p0 .LBB2_4-.Ltmp3, $4  }
0xda: {  	v1 =	vmul.f32 v5, v2;
	[tilespmem:s11+$0xFFFFFFE0] =	vst v3  }
0xdb: {  	[tilespmem:s11+$0xFFFFFFC0] =	vst v63  }
0xdc: {  	[tilespmem:s11+$0xFFFFFF90] =	vst v1  }
0xdd: {  	[spmem:s3] =	stream.indirect.scatter.add.f32 [tilespmem:s31], [sflag:$0x5], $0x80, s28, s22, $0xb8;
	[tilespmem:$0x1BF00] =	vst v63  }
0xde: {  	_ =	swait.ge [sflag:s0], $0x4000  }
0xdf: {  	[sflag:s0] =	ssyncset.done $0x0  }
0xe0: {  	[sflag:s0] =	ssyncadd.s32 $0xFFFFC000  }
0xe1: {  	_ =	swait.ge [sflag:s2], $0x4000  }
0xe2: {  	s9 =	stileid.u32;
	[sflag:s2] =	ssyncset.done $0x0  }
0xe3: {  	s10 =	sshrl.u32 s8, $0x3;
	s4 =	sadd.s32 $0x1, s4;
	[sflag:s2] =	ssyncadd.s32 $0xFFFFC000  }
0xe4: {  	s9 =	sshll.u32 s9, $0x6;
	p0 =	sne.s32 s4, s19;
	[bflag:$0x0] =	sbarrier.arrive $0xFFFF  }
.Ltmp4:
0xe5: {  	s9 =	sor.u32 $0x1C06, s9;
	s11 =	rddreg [dreg:$0xb];
	(pc) =	sbr.rel @p0 .LBB2_1-.Ltmp4, $4  }
0xe6: {  	[hbm:s11], [sflag:s9] =	dma.local [spmem:s10], $0x2780  }
0xe7: {  	_ =	swait.ge [sflag:s21], $0x2780  }
0xe8: {  	[sflag:s21] =	ssyncset.done $0x0  }
0xe9: {  	[sflag:s21] =	ssyncadd.s32 $0xFFFFD880  }
0xea: {  	_ =	sfence.sel $0x180000  }
0xeb: {  	[bflag:$0x0] =	sbarrier.arrive $0xFFFF  }
0xec: {  	_ =	strace $0x90000047  }
0xed: {  	s0 =	stileid.u32;
	[bflag:$0x2] =	sbarrier.arrive $0xFFFF  }
0xee: {  	p0 =	sne.s32 s0, $0x0;
	s0 =	rddreg [dreg:$0x3]  }
0xef: {  	s0 =	sadd.s32 @!p0 $0x100000, s0  }
0xf0: {  	[sflag:s0] =	ssyncadd.tile.s32 @!p0 $0x1;
	_ =	shalt  }
.Lfunc_end2:
_tile_overlayer_lowered:
.L_overlay_start_2:
0xf1: {  	(tag) =	ssettag $0x2  }
0xf2: {  	s0 =	rddreg [dreg:$0x0];
	s2 =	stileid.u32  }
0xf3: {  	s1 =	rddreg [dreg:$0x1];
	p0 =	sne.s32 s2, $0x0  }
0xf4: {  	s3 =	rddreg [dreg:$0x2];
	[bflag:$0x3] =	sbarrier.arrive $0xFFFF;
	s2 =	simm.s32 @!p0 $0x1C06  }
0xf5: {  	[timem:s3], [sflag:s2] =	dma.local @!p0 [hbm:s0], s1  }
0xf6: {  	s0 =	simm.s32 @!p0 $0x6  }
0xf7: {  	_ =	swait.ge @!p0 [sflag:s0], s1  }
0xf8: {  	s1 =	ssub.s32 @!p0 $0x0, s1;
	[sflag:s0] =	ssyncset.done @!p0 $0x0  }
0xf9: {  	[sflag:s0] =	ssyncadd.s32 @!p0 s1  }
0xfa: {  	[bflag:$0x3] =	sbarrier.arrive $0xFFFF  }
0xfb: {  	_ =	shalt  }

// kernel: kernel.9.cloned.1.call-start
scs
__scs_entry_jumppad:
0x0: {  	(pc) =	sbr.rel $0x88, $3  }
0x1: {  	(tag) =	ssettag $0x0;
	lr =	simm.s32 $0x1  }
0x2: {  	[smem:$0x3F9D] =	sst lr;
	_ =	strace $0xD0000000  }
0x3: {  	_ = 	snop  }
0x4: {  	_ = 	snop  }
0x5: {  	_ = 	snop  }
0x6: {  	_ = 	snop  }
0x7: {  	_ = 	snop  }
__scs_overlays_trampoline_lowered:
0x8: {  	[smem:$0x3FAC] =	sst s0  }
0x9: {  	[smem:$0x3FAD] =	sst s1  }
0xa: {  	[smem:$0x3FAE] =	sst s2  }
0xb: {  	[smem:$0x3FAF] =	sst s3  }
0xc: {  	[smem:$0x3FB0] =	sst s4  }
0xd: {  	[smem:$0x3FB1] =	sst s5  }
0xe: {  	[smem:$0x3FB2] =	sst s6  }
0xf: {  	[smem:$0x3FB3] =	sst s7  }
0x10: {  	[smem:$0x3FB4] =	sst s8  }
0x11: {  	[smem:$0x3FB5] =	sst s9;
	s0 =	simm.s32 @!p0 $0x0  }
0x12: {  	s1 =	sld [smem:$0x3F9B];
	s0 =	simm.s32 @p0 $0x1  }
0x13: {  	[smem:$0x3FB6] =	sst s0;
	s0 =	simm.s32 @!p1 $0x0  }
0x14: {  	s2 =	sld [smem:$0x3F9A];
	s0 =	simm.s32 @p1 $0x1  }
0x15: {  	[smem:$0x3FB7] =	sst s0;
	s0 =	simm.s32 @!p2 $0x0  }
0x16: {  	s3 =	sld [smem:$0x3FDB];
	s0 =	simm.s32 @p2 $0x1  }
0x17: {  	s4 =	simm.s32 $0x1BF5;
	[smem:$0x3FB9] =	sst s0  }
0x18: {  	s0 =	sld [smem:$0x3F9C];
	_ =	swait.ge [sflag:s4], $0x0  }
0x19: {  	s7 =	sld [smem:$0x3F9D]  }
0x1a: {  	s8 =	sadd.s32 $0xFFFFE003, lr  }
0x1b: {  	s9 =	sadd.s32 $0xFFFFFEF7, lr;
	s5 =	simm.s32 $0xFFFFFFFF;
	p2 =	slt.u32 s8, $0xFFFFF086  }
0x1c: {  	p1 =	slt.u32 s9, $0xF7A;
	s5 =	simm.s32 @!p2 $0x0  }
0x1d: {  	s5 =	simm.s32 @p1 $0x1;
	p0 =	seq.s32 s7, s2  }
0x1e: {  	s7 =	smul.u32 @!p0 $0xF7A, s2;
	p2 =	seq.s32 @!p0 s5, $0x0  }
0x1f: {  	s9 =	smul.u32 $0xF7A, s1;
	s8 =	simm.s32 @!p0 $0x1BF5;
	p2 =	por !p2, p0  }
0x20: {  	[sflag:s8] =	ssyncset.s32 @!p0 $0xFFFFF086;
	s6 =	sadd.s32 @!p0 s3, s7;
	s7 =	simm.s32 @!p0 $0x108  }
0x21: {  	s3 =	sadd.s32 s3, s9;
	s6 =	sadd.s32 @!p0 $0x88, s6;
	s7 =	simm.s32 @p2 $0x1082  }
0x22: {  	[simem:s7], [sflag:s8] =	dma.local @!p0 [hbm:s6], $0xF7A  }
0x23: {  	s9 =	sor.u32 $0xD0000000, s2;
	s6 =	simm.s32 $0x108;
	_ =	swait.ge @!p0 [sflag:s8], $0x0  }
0x24: {  	s3 =	sadd.s32 $0x88, s3;
	s6 =	simm.s32 @!p1 $0x1082;
	[sflag:s4] =	ssyncset.s32 $0xFFFFF086  }
0x25: {  	[simem:s6], [sflag:s4] =	dma.local [hbm:s3], $0xF7A  }
0x26: {  	[smem:$0x3F9D] =	sst s1;
	(tag) =	ssettag s2;
	_ =	strace s9  }
0x27: {  	s1 =	sld [smem:$0x3FAD]  }
0x28: {  	s2 =	sld [smem:$0x3FAE]  }
0x29: {  	s4 =	sld [smem:$0x3FB0]  }
0x2a: {  	p0 =	seq.s32 s5, $0x0;
	s5 =	sld [smem:$0x3FB1]  }
0x2b: {  	s6 =	sld [smem:$0x3FB2]  }
0x2c: {  	s7 =	sld [smem:$0x3FB3]  }
0x2d: {  	s3 =	simm.s32 $0x108;
	s8 =	sld [smem:$0x3FB4]  }
0x2e: {  	s3 =	simm.s32 @!p0 $0x1082;
	s9 =	sld [smem:$0x3FB5]  }
0x2f: {  	lr =	sadd.s32 s0, s3;
	s0 =	sld [smem:$0x3FAC]  }
0x30: {  	s3 =	sld [smem:$0x3FAF]  }
0x31: {  	[smem:$0x3FB8] =	sst s10  }
0x32: {  	s10 =	sld [smem:$0x3FB6];
	_ =	sdelay $0x3  }
0x33: {  	p0 =	seq.s32 s10, $0x1;
	s10 =	sld [smem:$0x3FB8];
	_ =	sdelay $0x3  }
0x34: {  	[smem:$0x3FB8] =	sst s10  }
0x35: {  	s10 =	sld [smem:$0x3FB7];
	_ =	sdelay $0x3  }
0x36: {  	p1 =	seq.s32 s10, $0x1;
	s10 =	sld [smem:$0x3FB8];
	_ =	sdelay $0x3  }
0x37: {  	[smem:$0x3FB8] =	sst s10  }
0x38: {  	s10 =	sld [smem:$0x3FB9]  }
0x39: {  	_ = 	snop;
	(pc) =	sbr.ind lr, $3  }
0x3a: {  	_ = 	snop  }
0x3b: {  	_ = 	snop  }
0x3c: {  	p2 =	seq.s32 s10, $0x1;
	s10 =	sld [smem:$0x3FB8]  }
0x3d: {  	_ =	shalt  }
0x3e: {  	_ =	shalt  }
0x3f: {  	_ =	shalt  }
0x40: {  	_ =	shalt  }
0x41: {  	_ =	shalt  }
0x42: {  	_ =	shalt  }
0x43: {  	_ =	shalt  }
0x44: {  	_ =	shalt  }
0x45: {  	_ =	shalt  }
0x46: {  	_ =	shalt  }
0x47: {  	_ =	shalt  }
0x48: {  	_ =	shalt  }
0x49: {  	_ =	shalt  }
0x4a: {  	_ =	shalt  }
0x4b: {  	_ =	shalt  }
0x4c: {  	_ =	shalt  }
0x4d: {  	_ =	shalt  }
0x4e: {  	_ =	shalt  }
0x4f: {  	_ =	shalt  }
0x50: {  	_ =	shalt  }
0x51: {  	_ =	shalt  }
0x52: {  	_ =	shalt  }
0x53: {  	_ =	shalt  }
0x54: {  	_ =	shalt  }
0x55: {  	_ =	shalt  }
0x56: {  	_ =	shalt  }
0x57: {  	_ =	shalt  }
0x58: {  	_ =	shalt  }
0x59: {  	_ =	shalt  }
0x5a: {  	_ =	shalt  }
0x5b: {  	_ =	shalt  }
0x5c: {  	_ =	shalt  }
0x5d: {  	_ =	shalt  }
0x5e: {  	_ =	shalt  }
0x5f: {  	_ =	shalt  }
0x60: {  	_ =	shalt  }
0x61: {  	_ =	shalt  }
0x62: {  	_ =	shalt  }
0x63: {  	_ =	shalt  }
0x64: {  	_ =	shalt  }
0x65: {  	_ =	shalt  }
0x66: {  	_ =	shalt  }
0x67: {  	_ =	shalt  }
0x68: {  	_ =	shalt  }
0x69: {  	_ =	shalt  }
0x6a: {  	_ =	shalt  }
0x6b: {  	_ =	shalt  }
0x6c: {  	_ =	shalt  }
0x6d: {  	_ =	shalt  }
0x6e: {  	_ =	shalt  }
0x6f: {  	_ =	shalt  }
0x70: {  	_ =	shalt  }
0x71: {  	_ =	shalt  }
0x72: {  	_ =	shalt  }
0x73: {  	_ =	shalt  }
0x74: {  	_ =	shalt  }
0x75: {  	_ =	shalt  }
0x76: {  	_ =	shalt  }
0x77: {  	_ =	shalt  }
0x78: {  	_ =	shalt  }
0x79: {  	_ =	shalt  }
0x7a: {  	_ =	shalt  }
0x7b: {  	_ =	shalt  }
0x7c: {  	_ =	shalt  }
0x7d: {  	_ =	shalt  }
0x7e: {  	_ =	shalt  }
0x7f: {  	_ =	shalt  }
0x80: {  	_ =	shalt  }
0x81: {  	_ =	shalt  }
0x82: {  	_ =	shalt  }
0x83: {  	_ =	shalt  }
0x84: {  	_ =	shalt  }
0x85: {  	_ =	shalt  }
0x86: {  	_ =	shalt  }
0x87: {  	_ =	shalt  }
.Lfunc_end0:
.L_simem_size_0:
called_computation.1_lowered:
.L_overlay_start_0:
0x88: {  	s2 =	sld [smem:$0x3FD9]  }
0x89: {  	s3 =	sld [smem:$0x3FFE];
	_ =	sdelay $0x1  }
0x8a: {  	s1 =	srdreg.scid  }
0x8b: {  	s0 =	sand.u32 $0x1, s1  }
0x8c: {  	s17 =	sshll.u32 s0, $0xA;
	s2 =	sadd.s32 s3, s2  }
0x8d: {  	s2 =	sadd.s32 s2, s17  }
0x8e: {  	[smem:$0x3FC4] =	sst s2  }
0x8f: {  	_ = 	snop  }
0x90: {  	s2 =	sld [smem:$0x3FD0];
	(tm) =	ssettm $0x1  }
0x91: {  	s18 =	sld [smem:$0x3FFB];
	_ =	sdelay $0x3  }
0x92: {  	_ =	strace s18  }
0x93: {  	s3 =	sld [smem:$0x3FFC];
	_ =	sdelay $0x3  }
0x94: {  	_ =	strace s3  }
0x95: {  	s3 =	sld [smem:$0x3FFD];
	_ =	sdelay $0x3  }
0x96: {  	_ =	strace s3  }
0x97: {  	_ =	strace $0x8FFFFFFF  }
0x98: {  	s19 =	sld [smem:$0x3FDB];
	_ =	sdelay $0x1  }
0x99: {  	s4 =	simm.s32 $_scs_section_size  }
0x9a: {  	s5 =	simm.s32 $_size__tile_overlayer_lowered;
	s6 =	simm.s32 $_tile_overlayer_lowered  }
0x9b: {  	s22 =	simm.s32 $0x1BFF;
	s21 =	sshll.u32 s6, $0x1;
	s3 =	sadd.s32 s4, s19  }
0x9c: {  	s7 =	simm.s32 $0x0;
	s20 =	sshll.u32 s5, $0x1;
	s5 =	sadd.s32 s21, s3  }
0x9d: {  	[timem:s7], [sflag:s22] =	dma.local [hbm:s5], s20  }
0x9e: {  	_ =	swait.ge [sflag:s22], s20  }
0x9f: {  	s4 =	ssub.s32 $0x0, s20;
	[sflag:s22] =	ssyncset.done $0x0  }
0xa0: {  	[sflag:s22] =	ssyncadd.s32 s4;
	_ =	sdelay $0x1  }
0xa1: {  	s23 =	simm.s32 $0x1B8B  }
0xa2: {  	_ =	swait.ge [sflag:s23], $0x1  }
0xa3: {  	[sflag:s23] =	ssyncset.done $0x0  }
0xa4: {  	s25 =	simm.s32 $0x1B8E;
	s24 =	sld [smem:$0x3FFE];
	[sflag:s23] =	ssyncadd.s32 $0xFFFFFFFF  }
0xa5: {  	s26 =	simm.s32 $execute0_lowered;
	[smem:$0x3FD2] =	sst s25  }
0xa6: {  	s5 =	sshll.u32 s26, $0x1;
	_ =	strace $0x80000049;
	[dreg:$0x1] =	wrdreg $0xFFFFFFFF  }
0xa7: {  	s28 =	simm.s32 $_size_execute0_lowered;
	s3 =	sadd.s32 s3, s5;
	[dreg:$0x0] =	wrdreg $0x0  }
0xa8: {  	s5 =	sshll.u32 s28, $0x1;
	[dreg:$0x2] =	wrdreg s3  }
0xa9: {  	[dreg:$0x3] =	wrdreg s5  }
0xaa: {  	[dreg:$0x4] =	wrdreg $0xC0  }
0xab: {  	_ =	task [dreg:s7], $0x5FFFF  }
0xac: {  	[dreg:$0x1] =	wrdreg $0xFFFFFFFF  }
0xad: {  	[dreg:$0x0] =	wrdreg $0x60  }
0xae: {  	[dreg:$0x2] =	wrdreg s2  }
0xaf: {  	[dreg:$0x3] =	wrdreg s24  }
0xb0: {  	[dreg:$0x4] =	wrdreg $0x83000  }
0xb1: {  	[dreg:$0x5] =	wrdreg $0x9  }
0xb2: {  	_ =	task.clear_ibuf [dreg:s7], $0x6FFFF;
	_ =	strace $0x90000049  }
0xb3: {  	s29 =	simm.s32 $0x9;
	_ =	strace $0x8000004B  }
0xb4: {  	_ =	swait.ge [sflag:s29], $0x1  }
0xb5: {  	[sflag:s29] =	ssyncadd.s32 $0xFFFFFFFF  }
0xb6: {  	_ =	strace $0x9000004B  }
0xb7: {  	_ =	sfence  }
0xb8: {  	s30 =	sld [smem:$0x0];
	_ =	sdelay $0x2  }
0xb9: {  	s31 =	sshll.u32 s1, $0xD;
	s1 =	sshrl.u32 s1, $0x2  }
0xba: {  	s3 =	sand.u32 $0x4000, s31;
	s1 =	sadd.s32 s1, s30  }
0xbb: {  	s0 =	sor.u32 s3, s0;
	s1 =	sshll.u32 s1, $0x11  }
0xbc: {  	s0 =	sor.u32 s1, s0  }
0xbd: {  	s0 =	sadd.s32 $0x8F2B, s0  }
0xbe: {  	[sflag:s0] =	ssyncadd.remote.s32 $0x1  }
0xbf: {  	_ =	sfence.sel $0xFFFF  }
0xc0: {  	[dreg:$0x0] =	wrdreg $0xFFFFFFFF;
	(pc) =	sbr.abs _section_cstart, $3  }
0xc1: {  	[dreg:$0x1] =	wrdreg $0xFFFFFFFF  }
0xc2: {  	_ =	task.clear_ibuf [dreg:s7], $0x2FFFF;
	_ =	strace $0x9FFFFFFF  }
0xc3: {  	(tm) =	ssettm $0x7FFFFFFF  }
tec
execute0_lowered:
.L_overlay_start_1:
0x0: {  	(tag) =	ssettag $0x1  }
0x1: {  	s1 =	rddreg [dreg:$0x0]  }
0x2: {  	s0 =	rddreg [dreg:$0x1]  }
0x3: {  	s3 =	rddreg [dreg:$0x2];
	s4 =	simm.s32 $0x0  }
0x4: {  	s2 =	srdreg.scid;
	s11 =	stileid.u32;
	s28 =	simm.s32 $0x200  }
0x5: {  	s29 =	simm.s32 $0x280;
	s30 =	simm.s32 $0x3;
	s31 =	simm.s32 $0x4300  }
0x6: {  	[smem:$0x7FF] =	sst s4;
	s2 =	sand.u32 $0x1, s2;
	s8 =	smul.u32 $0x2780, s11  }
0x7: {  	s5 =	sadd.s32 $0x15800, s0;
	s6 =	sadd.s32 $0xB800, s0;
	s10 =	smul.u32 $0x4F000, s11  }
0x8: {  	s7 =	sadd.s32 $0x1800, s0;
	s15 =	sshll.u32 s11, $0x1;
	_ =	strace $0x8000004A  }
0x9: {  	s9 =	smul.u32 $0x27800, s2;
	s16 =	ssub.s32 $0x2, s2;
	s2 =	sor.u32 s2, s15  }
0xa: {  	s17 =	sshrl.u32 s10, $0x2;
	s18 =	sshrl.u32 s16, $0x1;
	s2 =	smul.u32 $0x2800, s2  }
0xb: {  	s9 =	sadd.s32 s8, s9;
	s8 =	sadd.s32 s17, s3;
	s19 =	ssub.s32 s16, s18  }
0xc: {  	s0 =	sadd.s32 s9, s0;
	s20 =	sadd.s32 $0x4000, s8;
	s21 =	sadd.s32 $0x8000, s8  }
0xd: {  	s22 =	sadd.s32 $0xC000, s8;
	s23 =	sshrl.u32 s2, $0x3;
	[dreg:$0x4] =	wrdreg s20  }
0xe: {  	s24 =	sadd.s32 $0x10000, s8;
	s16 =	sor.u32 $0x80, s2;
	[dreg:$0x5] =	wrdreg s21  }
0xf: {  	s17 =	sor.u32 $0x100, s2;
	s19 =	smax.u32 s19, $0x1;
	[dreg:$0x6] =	wrdreg s22  }
0x10: {  	s2 =	simm.s32 $0x5;
	[dreg:$0x7] =	wrdreg s24;
	s25 =	sadd.s32 s5, s23  }
0x11: {  	s26 =	sadd.s32 s6, s23;
	s10 =	sadd.s32 s7, s23;
	[dreg:$0x8] =	wrdreg s25  }
0x12: {  	s0 =	sadd.s32 $0x1F800, s0;
	s20 =	simm.s32 $0x300;
	[dreg:$0x9] =	wrdreg s26  }
0x13: {  	s21 =	simm.s32 $0x6;
	s22 =	simm.s32 $0x80;
	[dreg:$0xa] =	wrdreg s10  }
0x14: {  	s23 =	simm.s32 $0x100;
	s24 =	simm.s32 $0x2;
	[dreg:$0xb] =	wrdreg s0  }
0x15: {  	v0 =	vimm.f32 $0.0e+00;
	s25 =	simm.s32 $0x1;
	s26 =	simm.s32 $0x180;
	s0 =	simm.s32 $0x4  }
.LBB2_1:
0x16: {  	s9 =	simm.s32 $0x0;
	s10 =	simm.s32 $0x200  }
.LBB2_2:
0x17: {  	p0 =	sne.s32 s10, $0xFE00;
	[tilespmem:s9+$0x370] =	vst v0  }
0x18: {  	[tilespmem:s9+$0x300] =	vst v0  }
0x19: {  	[tilespmem:s9+$0x310] =	vst v0  }
.Ltmp0:
0x1a: {  	[tilespmem:s9+$0x320] =	vst v0;
	(pc) =	sbr.rel @p0 .LBB2_2-.Ltmp0, $4  }
0x1b: {  	[tilespmem:s9+$0x330] =	vst v0  }
0x1c: {  	[tilespmem:s9+$0x340] =	vst v0  }
0x1d: {  	[tilespmem:s9+$0x350] =	vst v0  }
0x1e: {  	[tilespmem:s9+$0x360] =	vst v0;
	s9 =	sshra.s32 s10, $0x2;
	s10 =	sadd.s32 $0x200, s10  }
0x1f: {  	[tilespmem:s9+$0x370] =	vst v0  }
0x20: {  	[tilespmem:s9+$0x300] =	vst v0  }
0x21: {  	[tilespmem:s9+$0x310] =	vst v0  }
0x22: {  	[tilespmem:s9+$0x320] =	vst v0  }
0x23: {  	[tilespmem:s9+$0x330] =	vst v0  }
0x24: {  	[tilespmem:s9+$0x340] =	vst v0  }
0x25: {  	[tilespmem:s9+$0x350] =	vst v0  }
0x26: {  	[tilespmem:s9+$0x360] =	vst v0  }
0x27: {  	[spmem:s8] =	stream.linear.scatter [tilespmem:s20], [sflag:$0x6], $0x4000, $0x38;
	[tilespmem:$0x1BF00] =	vst v63  }
0x28: {  	_ =	swait.ge [sflag:s21], $0x4000  }
0x29: {  	[sflag:s21] =	ssyncset.done $0x0  }
0x2a: {  	s11 =	rddreg [dreg:$0x4];
	[sflag:s21] =	ssyncadd.s32 $0xFFFFC000  }
0x2b: {  	[spmem:s11] =	stream.linear.scatter [tilespmem:s20], [sflag:$0x6], $0x4000, $0x38;
	[tilespmem:$0x1BF00] =	vst v63  }
0x2c: {  	_ =	swait.ge [sflag:s21], $0x4000  }
0x2d: {  	[sflag:s21] =	ssyncset.done $0x0  }
0x2e: {  	s12 =	rddreg [dreg:$0x5];
	[sflag:s21] =	ssyncadd.s32 $0xFFFFC000  }
0x2f: {  	[spmem:s12] =	stream.linear.scatter [tilespmem:s20], [sflag:$0x6], $0x4000, $0x38;
	[tilespmem:$0x1BF00] =	vst v63  }
0x30: {  	_ =	swait.ge [sflag:s21], $0x4000  }
0x31: {  	[sflag:s21] =	ssyncset.done $0x0  }
0x32: {  	s13 =	rddreg [dreg:$0x6];
	[sflag:s21] =	ssyncadd.s32 $0xFFFFC000  }
0x33: {  	[spmem:s13] =	stream.linear.scatter [tilespmem:s20], [sflag:$0x6], $0x4000, $0x38;
	[tilespmem:$0x1BF00] =	vst v63  }
0x34: {  	_ =	swait.ge [sflag:s21], $0x4000  }
0x35: {  	[sflag:s21] =	ssyncset.done $0x0  }
0x36: {  	s14 =	rddreg [dreg:$0x7];
	[sflag:s21] =	ssyncadd.s32 $0xFFFFC000  }
0x37: {  	[spmem:s14] =	stream.linear.scatter [tilespmem:s20], [sflag:$0x6], $0x3C00, $0x38;
	[tilespmem:$0x1BF00] =	vst v63  }
0x38: {  	_ =	swait.ge [sflag:s21], $0x3C00  }
0x39: {  	[sflag:s21] =	ssyncset.done $0x0  }
0x3a: {  	[sflag:s21] =	ssyncadd.s32 $0xFFFFC400  }
0x3b: {  	[bflag:$0x0] =	sbarrier.arrive $0xFFFF  }
0x3c: {  	s9 =	simm.s32 $0x0;
	s10 =	rddreg [dreg:$0x8]  }
0x3d: {  	[tilespmem:s9], [sflag:$0x2] =	stream.linear.gather [hbm4b:s10+s9], $0x80, $0x38;
	[tilespmem:$0x1BF00] =	vst v63  }
0x3e: {  	s15 =	rddreg [dreg:$0x9]  }
0x3f: {  	[tilespmem:s22], [sflag:$0x2] =	stream.linear.gather [hbm4b:s15+s9], $0x80, $0x38;
	[tilespmem:$0x1BF00] =	vst v63  }
0x40: {  	s18 =	rddreg [dreg:$0xa];
	s10 =	simm.s32 $0x0  }
0x41: {  	[tilespmem:s23], [sflag:$0x2] =	stream.linear.gather [hbm4b:s18+s9], $0x80, $0x38;
	[tilespmem:$0x1BF00] =	vst v63  }
.LBB2_4:
0x42: {  	p0 =	seq.s32 s10, $0x0  }
0x43: {  	s11 =	simm.s32 @!p0 $0x4  }
0x44: {  	_ =	swait.ge @!p0 [sflag:s11], $0x4000  }
0x45: {  	[sflag:s11] =	ssyncset.done @!p0 $0x0  }
0x46: {  	[sflag:s11] =	ssyncadd.s32 @!p0 $0xFFFFC000  }
0x47: {  	_ =	swait.ge [sflag:s24], $0x80  }
0x48: {  	[sflag:s24] =	ssyncset.done $0x0  }
0x49: {  	[sflag:s24] =	ssyncadd.s32 $0xFFFFFF80  }
0x4a: {  	_ =	swait.ge [sflag:s24], $0x80  }
0x4b: {  	[sflag:s24] =	ssyncset.done $0x0  }
0x4c: {  	[sflag:s24] =	ssyncadd.s32 $0xFFFFFF80  }
0x4d: {  	_ =	swait.ge [sflag:s24], $0x80  }
0x4e: {  	[sflag:s24] =	ssyncset.done $0x0  }
0x4f: {  	s11 =	sshll.u32 s10, $0x8;
	[sflag:s24] =	ssyncadd.s32 $0xFFFFFF80  }
0x50: {  	[tilespmem:s20], [sflag:$0x1] =	stream.indirect.gather [hbm4b:s1+s22], $0x80, s9, s22, $0xb8;
	[tilespmem:$0x1BF00] =	vst v63  }
0x51: {  	s12 =	sadd.s32 s11, s16;
	_ =	swait.ge [sflag:s25], $0x4000  }
0x52: {  	s12 =	sshrl.u32 s12, $0x3;
	[sflag:s25] =	ssyncset.done $0x0  }
0x53: {  	s13 =	sadd.s32 s5, s12;
	[sflag:s25] =	ssyncadd.s32 $0xFFFFC000  }
0x54: {  	[tilespmem:s26], [sflag:$0x3] =	stream.linear.gather [hbm4b:s13+s9], $0x80, $0x38;
	[tilespmem:$0x1BF00] =	vst v63  }
0x55: {  	s15 =	sadd.s32 s6, s12  }
0x56: {  	[tilespmem:s28], [sflag:$0x3] =	stream.linear.gather [hbm4b:s15+s9], $0x80, $0x38;
	[tilespmem:$0x1BF00] =	vst v63  }
0x57: {  	s18 =	simm.s32 $0x1;
	s12 =	sadd.s32 s7, s12  }
0x58: {  	[tilespmem:s29], [sflag:$0x3] =	stream.linear.gather [hbm4b:s12+s9], $0x80, $0x38;
	[tilespmem:$0x1BF00] =	vst v63  }
0x59: {  	v1 =	vmov s18;
	s12 =	simm.s32 $0x380  }
0x5a: {  	v6 =	vld [tilespmem:s12+$0xFFFFFFF0]  }
0x5b: {  	v5 =	vld [tilespmem:s12+$0x60]  }
0x5c: {  	v4 =	vld [tilespmem:s12+$0x50]  }
0x5d: {  	v2 =	vmov s9;
	v10 =	vld [tilespmem:s12+$0xFFFFFFD0]  }
0x5e: {  	v2 =	vand.u32 $0xFFFFFFFE, v2;
	v7 =	vld.idx.msk [tilespmem:v1+s23+$0x0], $0xffff  }
0x5f: {  	v1 =	vbroadcast v2, $0x0;
	v2 =	vld [tilespmem:s12+$0x0]  }
0x60: {  	v8 =	vld [tilespmem:s12+$0x70]  }
0x61: {  	v3 =	vld [tilespmem:s12+$0x10]  }
0x62: {  	v9 =	vld [tilespmem:s12+$0x20]  }
0x63: {  	v11 =	vld [tilespmem:s12+$0x30]  }
0x64: {  	v12 =	vld [tilespmem:s12+$0x40]  }
0x65: {  	v14 =	vld [tilespmem:s12+$0xFFFFFF80];
	v13 =	vmul.f32 v2, v7  }
0x66: {  	v2 =	vld.idx.msk [tilespmem:v1+s23+$0x0], $0xffff;
	v1 =	vmul.f32 v3, v7  }
0x67: {  	v62 =	vld [tilespmem:s12+$0xFFFFFFA0];
	v9 =	vmul.f32 v9, v7;
	[tilespmem:s12+$0x0] =	vst v13  }
0x68: {  	v63 =	vmul.f32 v5, v7;
	v5 =	vld [tilespmem:s12+$0xFFFFFF90];
	[tilespmem:s12+$0x10] =	vst v1;
	v1 =	vmul.f32 v11, v7  }
0x69: {  	v3 =	vld [tilespmem:s12+$0xFFFFFFE0];
	[tilespmem:s12+$0x20] =	vst v9;
	v9 =	vmul.f32 v12, v7  }
0x6a: {  	[tilespmem:s12+$0x30] =	vst v1;
	v1 =	vld [tilespmem:s12+$0xFFFFFFB0]  }
0x6b: {  	v11 =	vmul.f32 v4, v7;
	[tilespmem:s12+$0x40] =	vst v9;
	v9 =	vmul.f32 v6, v2;
	v6 =	vld [tilespmem:s12+$0xFFFFFFC0]  }
0x6c: {  	[tilespmem:s12+$0x60] =	vst v63;
	v4 =	vmul.f32 v8, v7;
	v8 =	vmul.f32 v14, v2  }
0x6d: {  	s14 =	simm.s32 $0x380;
	s13 =	simm.s32 $0x2;
	[tilespmem:s12+$0x50] =	vst v11;
	v7 =	vmul.f32 v62, v2;
	v10 =	vmul.f32 v10, v2  }
.LBB2_5:
0x6e: {  	p1 =	sne.s32 s13, $0x7E  }
0x6f: {  	v5 =	vmul.f32 v5, v2;
	v3 =	vmul.f32 v3, v2;
	[tilespmem:s12+$0x70] =	vst v4;
	s14 =	sadd.s32 $0x100, s14;
	s15 =	smov.u32 s13;
	s13 =	sadd.s32 $0x2, s13  }
0x70: {  	v1 =	vmul.f32 v1, v2;
	v2 =	vmul.f32 v6, v2;
	[tilespmem:s12+$0xFFFFFFF0] =	vst v9  }
0x71: {  	[tilespmem:s12+$0xFFFFFF80] =	vst v8  }
0x72: {  	s18 =	sadd.s32 $0x1, s15;
	v9 =	vld [tilespmem:s14+$0xFFFFFFF0];
	[tilespmem:s12+$0xFFFFFFD0] =	vst v10  }
0x73: {  	v4 =	vmov s18;
	v8 =	vld [tilespmem:s14+$0x60];
	[tilespmem:s12+$0xFFFFFFA0] =	vst v7  }
0x74: {  	v7 =	vld [tilespmem:s14+$0x50];
	[tilespmem:s12+$0xFFFFFFB0] =	vst v1  }
0x75: {  	v1 =	vld [tilespmem:s14+$0xFFFFFFB0];
	[tilespmem:s12+$0xFFFFFFC0] =	vst v2  }
0x76: {  	v10 =	vld [tilespmem:s14+$0xFFFFFFD0];
	[tilespmem:s12+$0xFFFFFFE0] =	vst v3  }
0x77: {  	v2 =	vmov s15;
	v3 =	vld [tilespmem:s14+$0x70];
	[tilespmem:s12+$0xFFFFFF90] =	vst v5;
	s12 =	smov.u32 s14  }
0x78: {  	v2 =	vand.u32 $0xFFFFFFFE, v2;
	v11 =	vld.idx.msk [tilespmem:v4+s23+$0x0], $0xffff  }
0x79: {  	v2 =	vbroadcast v2, $0x0;
	v4 =	vld [tilespmem:s14+$0x0]  }
0x7a: {  	v5 =	vld [tilespmem:s14+$0x10]  }
0x7b: {  	v6 =	vld [tilespmem:s14+$0x20]  }
0x7c: {  	v12 =	vld [tilespmem:s14+$0x30]  }
0x7d: {  	v13 =	vld [tilespmem:s14+$0x40]  }
0x7e: {  	v14 =	vld [tilespmem:s14+$0xFFFFFF80];
	v15 =	vmul.f32 v4, v11;
	v4 =	vmul.f32 v3, v11  }
0x7f: {  	v2 =	vld.idx.msk [tilespmem:v2+s23+$0x0], $0xffff;
	v5 =	vmul.f32 v5, v11  }
0x80: {  	v16 =	vld [tilespmem:s14+$0xFFFFFFA0];
	[tilespmem:s14+$0x0] =	vst v15;
	v6 =	vmul.f32 v6, v11  }
0x81: {  	v3 =	vld [tilespmem:s14+$0xFFFFFFE0];
	[tilespmem:s14+$0x10] =	vst v5;
	v12 =	vmul.f32 v12, v11  }
.Ltmp1:
0x82: {  	v5 =	vld [tilespmem:s14+$0xFFFFFF90];
	[tilespmem:s14+$0x20] =	vst v6;
	v13 =	vmul.f32 v13, v11;
	(pc) =	sbr.rel @p1 .LBB2_5-.Ltmp1, $4  }
0x83: {  	v7 =	vmul.f32 v7, v11;
	v6 =	vld [tilespmem:s14+$0xFFFFFFC0];
	[tilespmem:s14+$0x30] =	vst v12  }
0x84: {  	v11 =	vmul.f32 v8, v11;
	[tilespmem:s14+$0x40] =	vst v13  }
0x85: {  	v8 =	vmul.f32 v14, v2;
	v9 =	vmul.f32 v9, v2;
	[tilespmem:s14+$0x50] =	vst v7  }
0x86: {  	v10 =	vmul.f32 v10, v2;
	v7 =	vmul.f32 v16, v2;
	[tilespmem:s14+$0x60] =	vst v11  }
0x87: {  	[tilespmem:s12+$0x70] =	vst v4  }
0x88: {  	[tilespmem:s12+$0xFFFFFFF0] =	vst v9  }
0x89: {  	[tilespmem:s12+$0xFFFFFF80] =	vst v8  }
0x8a: {  	v1 =	vmul.f32 v1, v2;
	[tilespmem:s12+$0xFFFFFFD0] =	vst v10  }
0x8b: {  	v3 =	vmul.f32 v3, v2;
	[tilespmem:s12+$0xFFFFFFA0] =	vst v7  }
0x8c: {  	v4 =	vmul.f32 v6, v2;
	[tilespmem:s12+$0xFFFFFFB0] =	vst v1  }
0x8d: {  	v1 =	vmul.f32 v5, v2;
	[tilespmem:s12+$0xFFFFFFE0] =	vst v3  }
0x8e: {  	[tilespmem:s12+$0xFFFFFFC0] =	vst v4  }
0x8f: {  	[tilespmem:s12+$0xFFFFFF90] =	vst v1;
	s12 =	simm.s32 @!p0 $0x5  }
0x90: {  	[spmem:s3] =	stream.indirect.scatter.add.f32 [tilespmem:s20], [sflag:$0x4], $0x80, s22, s22, $0xb8;
	[tilespmem:$0x1BF00] =	vst v63  }
0x91: {  	_ =	swait.ge @!p0 [sflag:s12], $0x4000  }
0x92: {  	[sflag:s12] =	ssyncset.done @!p0 $0x0  }
0x93: {  	[sflag:s12] =	ssyncadd.s32 @!p0 $0xFFFFC000  }
0x94: {  	_ =	swait.ge [sflag:s30], $0x80  }
0x95: {  	[sflag:s30] =	ssyncset.done $0x0  }
0x96: {  	[sflag:s30] =	ssyncadd.s32 $0xFFFFFF80  }
0x97: {  	_ =	swait.ge [sflag:s30], $0x80  }
0x98: {  	[sflag:s30] =	ssyncset.done $0x0  }
0x99: {  	[sflag:s30] =	ssyncadd.s32 $0xFFFFFF80  }
0x9a: {  	_ =	swait.ge [sflag:s30], $0x80  }
0x9b: {  	[sflag:s30] =	ssyncset.done $0x0  }
0x9c: {  	p0 =	seq.s32 s10, $0x27;
	[sflag:s30] =	ssyncadd.s32 $0xFFFFFF80  }
0x9d: {  	[tilespmem:s31], [sflag:$0x1] =	stream.indirect.gather [hbm4b:s1+s22], $0x80, s26, s22, $0xb8;
	[tilespmem:$0x1BF00] =	vst v63  }
0x9e: {  	s11 =	sadd.s32 @!p0 s11, s17;
	_ =	swait.ge [sflag:s25], $0x4000  }
0x9f: {  	s11 =	sshrl.u32 @!p0 s11, $0x3;
	[sflag:s25] =	ssyncset.done $0x0  }
0xa0: {  	s13 =	simm.s32 @!p0 $0x0;
	s12 =	sadd.s32 @!p0 s5, s11;
	[sflag:s25] =	ssyncadd.s32 $0xFFFFC000  }
0xa1: {  	[tilespmem:s13], [sflag:$0x2] =	stream.linear.gather @!p0 [hbm4b:s12+s13], $0x80, $0x38;
	[tilespmem:$0x1BF00] =	vst v63  }
0xa2: {  	s14 =	simm.s32 @!p0 $0x80;
	s12 =	sadd.s32 @!p0 s6, s11  }
0xa3: {  	[tilespmem:s14], [sflag:$0x2] =	stream.linear.gather @!p0 [hbm4b:s12+s13], $0x80, $0x38;
	[tilespmem:$0x1BF00] =	vst v63  }
0xa4: {  	s15 =	simm.s32 $0x1;
	s11 =	sadd.s32 @!p0 s7, s11;
	s12 =	simm.s32 @!p0 $0x100  }
0xa5: {  	[tilespmem:s12], [sflag:$0x2] =	stream.linear.gather @!p0 [hbm4b:s11+s13], $0x80, $0x38;
	[tilespmem:$0x1BF00] =	vst v63  }
0xa6: {  	v1 =	vmov s15;
	s11 =	simm.s32 $0x4380  }
0xa7: {  	v6 =	vld [tilespmem:s11+$0xFFFFFFF0]  }
0xa8: {  	v5 =	vld [tilespmem:s11+$0x60]  }
0xa9: {  	s18 =	simm.s32 $0x0;
	v4 =	vld [tilespmem:s11+$0x50]  }
0xaa: {  	v2 =	vmov s18;
	v10 =	vld [tilespmem:s11+$0xFFFFFFD0]  }
0xab: {  	v2 =	vand.u32 $0xFFFFFFFE, v2;
	v7 =	vld.idx.msk [tilespmem:v1+s29+$0x0], $0xffff  }
0xac: {  	v1 =	vbroadcast v2, $0x0;
	v2 =	vld [tilespmem:s11+$0x0]  }
0xad: {  	v8 =	vld [tilespmem:s11+$0x70]  }
0xae: {  	v3 =	vld [tilespmem:s11+$0x10]  }
0xaf: {  	v9 =	vld [tilespmem:s11+$0x20]  }
0xb0: {  	v11 =	vld [tilespmem:s11+$0x30]  }
0xb1: {  	v12 =	vld [tilespmem:s11+$0x40]  }
0xb2: {  	v14 =	vld [tilespmem:s11+$0xFFFFFF80];
	v13 =	vmul.f32 v2, v7  }
0xb3: {  	v2 =	vld.idx.msk [tilespmem:v1+s29+$0x0], $0xffff;
	v1 =	vmul.f32 v3, v7  }
0xb4: {  	v62 =	vld [tilespmem:s11+$0xFFFFFFA0];
	v9 =	vmul.f32 v9, v7;
	[tilespmem:s11+$0x0] =	vst v13  }
0xb5: {  	v63 =	vmul.f32 v5, v7;
	v5 =	vld [tilespmem:s11+$0xFFFFFF90];
	[tilespmem:s11+$0x10] =	vst v1;
	v1 =	vmul.f32 v11, v7  }
0xb6: {  	v3 =	vld [tilespmem:s11+$0xFFFFFFE0];
	[tilespmem:s11+$0x20] =	vst v9;
	v9 =	vmul.f32 v12, v7  }
0xb7: {  	[tilespmem:s11+$0x30] =	vst v1;
	v1 =	vld [tilespmem:s11+$0xFFFFFFB0]  }
0xb8: {  	v11 =	vmul.f32 v4, v7;
	[tilespmem:s11+$0x40] =	vst v9;
	v9 =	vmul.f32 v6, v2;
	v6 =	vld [tilespmem:s11+$0xFFFFFFC0]  }
0xb9: {  	[tilespmem:s11+$0x60] =	vst v63;
	v4 =	vmul.f32 v8, v7;
	v8 =	vmul.f32 v14, v2  }
0xba: {  	s12 =	simm.s32 $0x2;
	s13 =	simm.s32 $0x4380;
	[tilespmem:s11+$0x50] =	vst v11;
	v7 =	vmul.f32 v62, v2;
	v10 =	vmul.f32 v10, v2  }
.LBB2_7:
0xbb: {  	p0 =	sne.s32 s12, $0x7E  }
0xbc: {  	v5 =	vmul.f32 v5, v2;
	v3 =	vmul.f32 v3, v2;
	[tilespmem:s11+$0x70] =	vst v4;
	s13 =	sadd.s32 $0x100, s13;
	s14 =	smov.u32 s12;
	s12 =	sadd.s32 $0x2, s12  }
0xbd: {  	v1 =	vmul.f32 v1, v2;
	v2 =	vmul.f32 v6, v2;
	[tilespmem:s11+$0xFFFFFFF0] =	vst v9  }
0xbe: {  	[tilespmem:s11+$0xFFFFFF80] =	vst v8  }
0xbf: {  	s15 =	sadd.s32 $0x1, s14;
	v9 =	vld [tilespmem:s13+$0xFFFFFFF0];
	[tilespmem:s11+$0xFFFFFFD0] =	vst v10  }
0xc0: {  	v4 =	vmov s15;
	v8 =	vld [tilespmem:s13+$0x60];
	[tilespmem:s11+$0xFFFFFFA0] =	vst v7  }
0xc1: {  	v7 =	vld [tilespmem:s13+$0x50];
	[tilespmem:s11+$0xFFFFFFB0] =	vst v1  }
0xc2: {  	v1 =	vld [tilespmem:s13+$0xFFFFFFB0];
	[tilespmem:s11+$0xFFFFFFC0] =	vst v2  }
0xc3: {  	v10 =	vld [tilespmem:s13+$0xFFFFFFD0];
	[tilespmem:s11+$0xFFFFFFE0] =	vst v3  }
0xc4: {  	v2 =	vmov s14;
	v3 =	vld [tilespmem:s13+$0x70];
	[tilespmem:s11+$0xFFFFFF90] =	vst v5;
	s11 =	smov.u32 s13  }
0xc5: {  	v2 =	vand.u32 $0xFFFFFFFE, v2;
	v11 =	vld.idx.msk [tilespmem:v4+s29+$0x0], $0xffff  }
0xc6: {  	v2 =	vbroadcast v2, $0x0;
	v4 =	vld [tilespmem:s13+$0x0]  }
0xc7: {  	v5 =	vld [tilespmem:s13+$0x10]  }
0xc8: {  	v6 =	vld [tilespmem:s13+$0x20]  }
0xc9: {  	v12 =	vld [tilespmem:s13+$0x30]  }
0xca: {  	v13 =	vld [tilespmem:s13+$0x40]  }
0xcb: {  	v14 =	vld [tilespmem:s13+$0xFFFFFF80];
	v15 =	vmul.f32 v4, v11;
	v4 =	vmul.f32 v3, v11  }
0xcc: {  	v2 =	vld.idx.msk [tilespmem:v2+s29+$0x0], $0xffff;
	v5 =	vmul.f32 v5, v11  }
0xcd: {  	v16 =	vld [tilespmem:s13+$0xFFFFFFA0];
	[tilespmem:s13+$0x0] =	vst v15;
	v6 =	vmul.f32 v6, v11  }
0xce: {  	v3 =	vld [tilespmem:s13+$0xFFFFFFE0];
	[tilespmem:s13+$0x10] =	vst v5;
	v12 =	vmul.f32 v12, v11  }
.Ltmp2:
0xcf: {  	v5 =	vld [tilespmem:s13+$0xFFFFFF90];
	[tilespmem:s13+$0x20] =	vst v6;
	v13 =	vmul.f32 v13, v11;
	(pc) =	sbr.rel @p0 .LBB2_7-.Ltmp2, $4  }
0xd0: {  	v7 =	vmul.f32 v7, v11;
	v6 =	vld [tilespmem:s13+$0xFFFFFFC0];
	[tilespmem:s13+$0x30] =	vst v12  }
0xd1: {  	v11 =	vmul.f32 v8, v11;
	[tilespmem:s13+$0x40] =	vst v13  }
0xd2: {  	v8 =	vmul.f32 v14, v2;
	v9 =	vmul.f32 v9, v2;
	[tilespmem:s13+$0x50] =	vst v7  }
0xd3: {  	v10 =	vmul.f32 v10, v2;
	v7 =	vmul.f32 v16, v2;
	[tilespmem:s13+$0x60] =	vst v11  }
0xd4: {  	[tilespmem:s11+$0x70] =	vst v4  }
0xd5: {  	[tilespmem:s11+$0xFFFFFFF0] =	vst v9  }
0xd6: {  	[tilespmem:s11+$0xFFFFFF80] =	vst v8  }
0xd7: {  	v1 =	vmul.f32 v1, v2;
	s10 =	sadd.s32 $0x1, s10;
	[tilespmem:s11+$0xFFFFFFD0] =	vst v10  }
0xd8: {  	v3 =	vmul.f32 v3, v2;
	[tilespmem:s11+$0xFFFFFFA0] =	vst v7;
	p0 =	sne.s32 s10, $0x28  }
.Ltmp3:
0xd9: {  	v63 =	vmul.f32 v6, v2;
	[tilespmem:s11+$0xFFFFFFB0] =	vst v1;
	(pc) =	sbr.rel @p0 .LBB2_4-.Ltmp3, $4  }
0xda: {  	v1 =	vmul.f32 v5, v2;
	[tilespmem:s11+$0xFFFFFFE0] =	vst v3  }
0xdb: {  	[tilespmem:s11+$0xFFFFFFC0] =	vst v63  }
0xdc: {  	[tilespmem:s11+$0xFFFFFF90] =	vst v1  }
0xdd: {  	[spmem:s3] =	stream.indirect.scatter.add.f32 [tilespmem:s31], [sflag:$0x5], $0x80, s28, s22, $0xb8;
	[tilespmem:$0x1BF00] =	vst v63  }
0xde: {  	_ =	swait.ge [sflag:s0], $0x4000  }
0xdf: {  	[sflag:s0] =	ssyncset.done $0x0  }
0xe0: {  	[sflag:s0] =	ssyncadd.s32 $0xFFFFC000  }
0xe1: {  	_ =	swait.ge [sflag:s2], $0x4000  }
0xe2: {  	s9 =	stileid.u32;
	[sflag:s2] =	ssyncset.done $0x0  }
0xe3: {  	s10 =	sshrl.u32 s8, $0x3;
	s4 =	sadd.s32 $0x1, s4;
	[sflag:s2] =	ssyncadd.s32 $0xFFFFC000  }
0xe4: {  	s9 =	sshll.u32 s9, $0x6;
	p0 =	sne.s32 s4, s19;
	[bflag:$0x0] =	sbarrier.arrive $0xFFFF  }
.Ltmp4:
0xe5: {  	s9 =	sor.u32 $0x1C06, s9;
	s11 =	rddreg [dreg:$0xb];
	(pc) =	sbr.rel @p0 .LBB2_1-.Ltmp4, $4  }
0xe6: {  	[hbm:s11], [sflag:s9] =	dma.local [spmem:s10], $0x2780  }
0xe7: {  	_ =	swait.ge [sflag:s21], $0x2780  }
0xe8: {  	[sflag:s21] =	ssyncset.done $0x0  }
0xe9: {  	[sflag:s21] =	ssyncadd.s32 $0xFFFFD880  }
0xea: {  	_ =	sfence.sel $0x180000  }
0xeb: {  	[bflag:$0x0] =	sbarrier.arrive $0xFFFF  }
0xec: {  	_ =	strace $0x9000004A  }
0xed: {  	s0 =	stileid.u32;
	[bflag:$0x2] =	sbarrier.arrive $0xFFFF  }
0xee: {  	p0 =	sne.s32 s0, $0x0;
	s0 =	rddreg [dreg:$0x3]  }
0xef: {  	s0 =	sadd.s32 @!p0 $0x100000, s0  }
0xf0: {  	[sflag:s0] =	ssyncadd.tile.s32 @!p0 $0x1;
	_ =	shalt  }
.Lfunc_end2:
_tile_overlayer_lowered:
.L_overlay_start_2:
0xf1: {  	(tag) =	ssettag $0x2  }
0xf2: {  	s0 =	rddreg [dreg:$0x0];
	s2 =	stileid.u32  }
0xf3: {  	s1 =	rddreg [dreg:$0x1];
	p0 =	sne.s32 s2, $0x0  }
0xf4: {  	s3 =	rddreg [dreg:$0x2];
	[bflag:$0x3] =	sbarrier.arrive $0xFFFF;
	s2 =	simm.s32 @!p0 $0x1C06  }
0xf5: {  	[timem:s3], [sflag:s2] =	dma.local @!p0 [hbm:s0], s1  }
0xf6: {  	s0 =	simm.s32 @!p0 $0x6  }
0xf7: {  	_ =	swait.ge @!p0 [sflag:s0], s1  }
0xf8: {  	s1 =	ssub.s32 @!p0 $0x0, s1;
	[sflag:s0] =	ssyncset.done @!p0 $0x0  }
0xf9: {  	[sflag:s0] =	ssyncadd.s32 @!p0 s1  }
0xfa: {  	[bflag:$0x3] =	sbarrier.arrive $0xFFFF  }
0xfb: {  	_ =	shalt  }

</sc_bundles>
